<compile_context>
chip_gen: v7x
topology: tpu7x:2x2x1
jax: 0.10.2.dev20260603
libtpu: 0.0.44.dev20260713+nightly
codegen_flags: <defaults>
</compile_context>

<pallas_src>
import functools

import jax
import jax.numpy as jnp
from jax import lax
from jax.experimental import pallas as pl
from jax.experimental.pallas import tpu as pltpu
from jax.experimental.pallas import tpu_sc as plsc

N = 10000
CIN = 128
COUT = 128
KS = 4
EXTENT = 0.1
KMAX = 64
KPAD = 32

RADIUS = EXTENT / 2.0
R2 = RADIUS * RADIUS

DBLK = 256
SCHUNK = 256
NPAD = 10240
NCHUNK = NPAD // SCHUNK
L1 = 8

MBLK = 80
KCELL = KS ** 3



def _neighbor_kernel(pos_ref, post_ref, idx_ref, cnt_ref):
    b = pl.program_id(0)
    qx = pos_ref[:, 0:1]
    qy = pos_ref[:, 1:2]
    qz = pos_ref[:, 2:3]
    dstid = b * DBLK + lax.broadcasted_iota(jnp.int32, (DBLK, 1), 0)
    iotak = lax.broadcasted_iota(jnp.int32, (DBLK, KPAD), 1)
    ut = (lax.broadcasted_iota(jnp.int32, (SCHUNK, SCHUNK), 0)
          <= lax.broadcasted_iota(jnp.int32, (SCHUNK, SCHUNK), 1)
          ).astype(jnp.bfloat16)
    lanecol = lax.broadcasted_iota(jnp.int32, (SCHUNK, 1), 0).astype(jnp.float32)

    def chunk_body(t, carry):
        cnt_run, acc = carry
        px = post_ref[0:1, pl.ds(t, 1), :].reshape(1, SCHUNK)
        py = post_ref[1:2, pl.ds(t, 1), :].reshape(1, SCHUNK)
        pz = post_ref[2:3, pl.ds(t, 1), :].reshape(1, SCHUNK)
        relx = qx - px
        rely = qy - py
        relz = qz - pz
        d2 = (relx * relx + rely * rely) + relz * relz
        srcid = t * SCHUNK + lax.broadcasted_iota(jnp.int32, (DBLK, SCHUNK), 1)
        mask = (d2 <= R2) & (srcid != dstid)
        c = lax.dot_general(mask.astype(jnp.bfloat16), ut,
                            (((1,), (0,)), ((), ())),
                            preferred_element_type=jnp.float32)
        cnt_t = c[:, SCHUNK - 1:SCHUNK].astype(jnp.int32)
        p1 = jnp.where(mask, c, 0.0)
        for l in range(L1):
            e = (p1 == float(l + 1)).astype(jnp.float32)
            off = lax.dot_general(e, lanecol, (((1,), (0,)), ((), ())),
                                  preferred_element_type=jnp.float32)
            cand = t * SCHUNK + off.astype(jnp.int32)
            slot = cnt_run + l
            sel = (iotak == slot) & (cnt_t > l)
            acc = jnp.where(sel, cand, acc)
        return cnt_run + cnt_t, acc

    cnt0 = jnp.zeros((DBLK, 1), jnp.int32)
    acc0 = lax.rem(dstid * KPAD + iotak, N)
    cnt_run, acc = lax.fori_loop(0, NCHUNK, chunk_body, (cnt0, acc0))
    idx_ref[...] = acc
    cnt_ref[...] = jnp.minimum(cnt_run, KPAD)


def _neighbors(pos_pad, post3):
    return pl.pallas_call(
        _neighbor_kernel,
        grid=(NPAD // DBLK,),
        in_specs=[
            pl.BlockSpec((DBLK, 3), lambda b: (b, 0)),
            pl.BlockSpec((3, NCHUNK, SCHUNK), lambda b: (0, 0, 0)),
        ],
        out_specs=[
            pl.BlockSpec((DBLK, KPAD), lambda b: (b, 0)),
            pl.BlockSpec((DBLK, 1), lambda b: (b, 0)),
        ],
        out_shape=[
            jax.ShapeDtypeStruct((NPAD, KPAD), jnp.int32),
            jax.ShapeDtypeStruct((NPAD, 1), jnp.int32),
        ],
    )(pos_pad, post3)



TBL = 256


def _sc_gather(idx_flat, table):
    info = plsc.get_sparse_core_info()
    nw = info.num_cores * info.num_subcores
    e_tot = idx_flat.shape[0]
    per_w = e_tot // nw
    c = 80
    r_bufs = 5
    nchk = per_w // c
    rounds = nchk // r_bufs
    mesh = plsc.VectorSubcoreMesh(core_axis_name="c", subcore_axis_name="s")

    @functools.partial(
        pl.kernel, mesh=mesh,
        out_type=jax.ShapeDtypeStruct((e_tot, TBL), jnp.float32),
        scratch_types=(
            [pltpu.VMEM((per_w,), jnp.int32)]
            + [pltpu.VMEM((c, TBL), jnp.float32) for _ in range(r_bufs)]
            + [pltpu.SemaphoreType.DMA for _ in range(2 * r_bufs)]
        ),
    )
    def k(idx_hbm, table_hbm, out_hbm, idx_v, *bufs_sems):
        bufs = bufs_sems[:r_bufs]
        gsem = bufs_sems[r_bufs:2 * r_bufs]
        ssem = bufs_sems[2 * r_bufs:]
        wid = lax.axis_index("s") * info.num_cores + lax.axis_index("c")
        base_e = wid * per_w
        pltpu.sync_copy(idx_hbm.at[pl.ds(base_e, per_w)], idx_v)

        def gather(chunk, r):
            pltpu.async_copy(
                table_hbm.at[idx_v.at[pl.ds(chunk * c, c)]], bufs[r], gsem[r])

        def wait_gather(r):
            pltpu.make_async_copy(
                table_hbm.at[idx_v.at[pl.ds(0, c)]], bufs[r], gsem[r]).wait()

        def store(chunk, r):
            pltpu.async_copy(
                bufs[r], out_hbm.at[pl.ds(base_e + chunk * c, c)], ssem[r])

        def wait_store(r):
            pltpu.make_async_copy(
                bufs[r], out_hbm.at[pl.ds(base_e, c)], ssem[r]).wait()

        for r in range(r_bufs):
            gather(r, r)

        def body(i, carry):
            for r in range(r_bufs):
                wait_gather(r)
                store(i * r_bufs + r, r)
            for r in range(r_bufs):
                wait_store(r)
                nxt = (i + 1) * r_bufs + r

                @pl.when(nxt < nchk)
                def _():
                    gather(nxt, r)
            return carry

        lax.fori_loop(0, rounds, body, 0)

    return k(idx_flat, table)



def _math_kernel(g3_ref, pos_ref, cnt_ref, wk_ref, bconv_ref,
                 feats_ref, wd_ref, bd_ref, outc_ref, outd_ref):
    nrows = MBLK * KPAD
    kiota = lax.broadcasted_iota(jnp.int32, (MBLK, KPAD, 1), 1)
    valid = (kiota < cnt_ref[...][:, :, None]).astype(jnp.float32)
    g3 = g3_ref[...]
    f = (g3[:, :, 0:CIN] * valid).reshape(nrows, CIN)

    p = g3.reshape(nrows, TBL)[:, CIN:CIN + 16]
    posq = jnp.broadcast_to(pos_ref[...][:, None, :], (MBLK, KPAD, 3))
    posq = posq.reshape(nrows, 3)
    rel = (p[:, 0:3] - posq) / RADIUS
    rx, ry, rz = rel[:, 0:1], rel[:, 1:2], rel[:, 2:3]
    nrm2 = jnp.sqrt((rx * rx + ry * ry) + rz * rz)
    nrminf = jnp.maximum(jnp.maximum(jnp.abs(rx), jnp.abs(ry)), jnp.abs(rz))
    s = nrm2 / jnp.maximum(nrminf, 1e-8)
    cube = rel * s
    u = (cube + 1.0) * 0.5 * (KS - 1)
    u = jnp.clip(u, 0.0, KS - 1.0)

    cell = lax.broadcasted_iota(jnp.int32, (nrows, KCELL), 1)
    ixf = lax.rem(cell, KS).astype(jnp.float32)
    iyf = lax.rem(lax.div(cell, KS), KS).astype(jnp.float32)
    izf = lax.div(cell, KS * KS).astype(jnp.float32)

    def hat(ua, ia):
        ub = jnp.broadcast_to(ua, (nrows, KCELL))
        return jnp.maximum(1.0 - jnp.abs(ub - ia), 0.0)

    wfull = (hat(u[:, 0:1], ixf) * hat(u[:, 1:2], iyf)
             * hat(u[:, 2:3], izf))

    w3 = wfull.reshape(MBLK, KPAD, KCELL)
    f3 = f.reshape(MBLK, KPAD, CIN)
    a3 = lax.dot_general(
        w3, f3, ((( 1,), (1,)), ((0,), (0,))),
        preferred_element_type=jnp.float32)

    acc = jnp.zeros((MBLK, COUT), jnp.float32)
    for cix in range(KCELL):
        acc = acc + lax.dot_general(
            a3[:, cix, :], wk_ref[cix],
            (((1,), (0,)), ((), ())), preferred_element_type=jnp.float32)
    outc_ref[...] = acc + bconv_ref[...]

    outd_ref[...] = lax.dot_general(
        feats_ref[...], wd_ref[...],
        (((1,), (1,)), ((), ())),
        preferred_element_type=jnp.float32) + bd_ref[...]


def _conv_math(g3, pos, cnt, wk2, bconv, feats, wd, bd):
    grid = (N // MBLK,)
    return pl.pallas_call(
        _math_kernel,
        grid=grid,
        in_specs=[
            pl.BlockSpec((MBLK, KPAD, TBL), lambda b: (b, 0, 0)),
            pl.BlockSpec((MBLK, 3), lambda b: (b, 0)),
            pl.BlockSpec((MBLK, 1), lambda b: (b, 0)),
            pl.BlockSpec((KCELL, CIN, COUT), lambda b: (0, 0, 0)),
            pl.BlockSpec((1, COUT), lambda b: (0, 0)),
            pl.BlockSpec((MBLK, CIN), lambda b: (b, 0)),
            pl.BlockSpec((COUT, CIN), lambda b: (0, 0)),
            pl.BlockSpec((1, COUT), lambda b: (0, 0)),
        ],
        out_specs=[
            pl.BlockSpec((MBLK, COUT), lambda b: (b, 0)),
            pl.BlockSpec((MBLK, COUT), lambda b: (b, 0)),
        ],
        out_shape=[
            jax.ShapeDtypeStruct((N, COUT), jnp.float32),
            jax.ShapeDtypeStruct((N, COUT), jnp.float32),
        ],
    )(g3, pos, cnt, wk2, bconv, feats, wd, bd)



def kernel(feats, pos, Wk, b_conv, Wd, bd):
    pos_pad = jnp.concatenate(
        [pos, jnp.full((NPAD - N, 3), 2.0, jnp.float32)], axis=0)
    post3 = pos_pad.T.reshape(3, NCHUNK, SCHUNK)
    idx, cnt = _neighbors(pos_pad, post3)
    idx = idx[:N]
    cnt = cnt[:N]

    idx_flat = idx.reshape(-1)
    table = jnp.concatenate(
        [feats, pos, jnp.zeros((N, TBL - CIN - 3), jnp.float32)], axis=1)
    g_flat = _sc_gather(idx_flat, table)
    g3 = g_flat.reshape(N, KPAD, TBL)

    wk2 = Wk.reshape(KCELL, CIN, COUT)
    out_conv, out_dense = _conv_math(
        g3, pos, cnt, wk2, b_conv.reshape(1, COUT),
        feats, Wd, bd.reshape(1, COUT))
    return (out_conv, out_dense)

# --- scband reference (transcript-rebuilt; emitter-appended) ---
"""Pipeline reference for scband-continuous-convolution-block-25434796327480 (READ-ONLY COPY).

The authoritative reference and input builder live on the scoring server;
editing this copy changes nothing except your own understanding.
"""

import jax, jax.numpy as jnp
import numpy as np

N = 10000
CIN = 128
COUT = 128
KS = 4
EXTENT = 0.1
KMAX = 64


def setup_inputs(seed: int = 0):
    key = jax.random.key(seed)
    k1, k2, k3, k4, k5, k6 = jax.random.split(key, 6)
    feats = jax.random.normal(k1, (N, CIN), dtype=jnp.float32)
    pos = jax.random.uniform(k2, (N, 3), dtype=jnp.float32)
    Wk = jax.random.normal(k3, (KS, KS, KS, CIN, COUT), dtype=jnp.float32) * 0.02
    b_conv = jnp.zeros((COUT,), dtype=jnp.float32)
    Wd = jax.random.normal(k5, (COUT, CIN), dtype=jnp.float32) * (1.0 / np.sqrt(CIN))
    bd = jnp.zeros((COUT,), dtype=jnp.float32)
    return {"feats": feats, "pos": pos, "Wk": Wk, "b_conv": b_conv, "Wd": Wd, "bd": bd}


def _knn_radius(pos, radius, kmax):
    # brute-force fixed-radius search (chunked), equivalent to ml3d radius search
    n = pos.shape[0]
    chunk = 2000
    idx_list = []
    d2_list = []
    for s in range(0, n, chunk):
        q = pos[s:s + chunk]
        d2 = jnp.sum((q[:, None, :] - pos[None, :, :]) ** 2, axis=-1)
        neg, idx = jax.lax.top_k(-d2, kmax)
        idx_list.append(idx)
        d2_list.append(-neg)
    idx = jnp.concatenate(idx_list, 0)
    d2 = jnp.concatenate(d2_list, 0)
    # radius_search_ignore_query_points=True -> drop self
    mask = (d2 <= radius * radius) & (idx != jnp.arange(n)[:, None])
    return idx, mask


def _cconv(feats, pos, Wk, b_conv, idx, mask):
    n = pos.shape[0]
    radius = EXTENT / 2.0
    rel = (pos[idx] - pos[:, None, :]) / radius  # [N,K,3] normalized to unit ball
    nrm2 = jnp.sqrt(jnp.sum(rel * rel, -1, keepdims=True))
    nrminf = jnp.max(jnp.abs(rel), -1, keepdims=True)
    s = nrm2 / jnp.maximum(nrminf, 1e-8)
    cube = rel * s  # ball_to_cube_radial mapping, coords in [-1,1]
    u = (cube + 1.0) * 0.5 * (KS - 1)  # align_corners=True
    u = jnp.clip(u, 0.0, KS - 1.0)
    f0 = jnp.clip(jnp.floor(u), 0, KS - 2)
    frac = u - f0
    f0 = f0.astype(jnp.int32)
    dst = jnp.repeat(jnp.arange(n), KMAX)
    src = idx.reshape(-1)
    fs = feats[src] * mask.reshape(-1, 1).astype(feats.dtype)  # [E, CIN]
    A = jnp.zeros((n * KS ** 3, CIN), dtype=feats.dtype)
    for bz in (0, 1):
        for by in (0, 1):
            for bx in (0, 1):
                ix = f0[..., 0] + bx
                iy = f0[..., 1] + by
                iz = f0[..., 2] + bz
                w = (jnp.where(bx, frac[..., 0], 1.0 - frac[..., 0]) *
                     jnp.where(by, frac[..., 1], 1.0 - frac[..., 1]) *
                     jnp.where(bz, frac[..., 2], 1.0 - frac[..., 2]))
                cell = (iz * KS + iy) * KS + ix
                key_flat = dst * (KS ** 3) + cell.reshape(-1)
                A = A.at[key_flat].add(w.reshape(-1, 1) * fs)
    Wflat = Wk.reshape(KS ** 3, CIN, COUT)
    out = jnp.einsum('ncd,cde->ne', A.reshape(n, KS ** 3, CIN), Wflat) + b_conv
    return out


def reference(feats, pos, Wk, b_conv, Wd, bd):
    idx, mask = _knn_radius(pos, EXTENT / 2.0, KMAX)
    ans_conv = _cconv(feats, pos, Wk, b_conv, idx, mask)
    ans_dense = feats @ Wd.T + bd  # nn.Linear branch (dense=True)
    # activation=None, dropout=None -> passthrough
    return (ans_conv, ans_dense)

if __name__ == "__main__":
    import jax
    _d = setup_inputs()
    print(jax.jit(kernel)(*tuple(_d.values())))

</pallas_src>

<mosaic_0001>
#map = affine_map<(d0, d1) -> (0)>
#map1 = affine_map<(d0, d1) -> (0, 0)>
module attributes {stable_mosaic.version = 14 : i64} {
  func.func @k(%arg0: i32, %arg1: i32, %arg2: memref<320000xi32, #tpu.memory_space<hbm>>, %arg3: memref<10000x256xf32, #tpu.memory_space<hbm>>, %arg4: memref<320000x256xf32, #tpu.memory_space<hbm>>, %arg5: memref<10000xi32, #tpu.memory_space<vmem>>, %arg6: memref<80x256xf32, #tpu.memory_space<vmem>>, %arg7: memref<80x256xf32, #tpu.memory_space<vmem>>, %arg8: memref<80x256xf32, #tpu.memory_space<vmem>>, %arg9: memref<80x256xf32, #tpu.memory_space<vmem>>, %arg10: memref<80x256xf32, #tpu.memory_space<vmem>>, %arg11: memref<!tpu.dma_semaphore, #tpu.memory_space<semaphore_mem>>, %arg12: memref<!tpu.dma_semaphore, #tpu.memory_space<semaphore_mem>>, %arg13: memref<!tpu.dma_semaphore, #tpu.memory_space<semaphore_mem>>, %arg14: memref<!tpu.dma_semaphore, #tpu.memory_space<semaphore_mem>>, %arg15: memref<!tpu.dma_semaphore, #tpu.memory_space<semaphore_mem>>, %arg16: memref<!tpu.dma_semaphore, #tpu.memory_space<semaphore_mem>>, %arg17: memref<!tpu.dma_semaphore, #tpu.memory_space<semaphore_mem>>, %arg18: memref<!tpu.dma_semaphore, #tpu.memory_space<semaphore_mem>>, %arg19: memref<!tpu.dma_semaphore, #tpu.memory_space<semaphore_mem>>, %arg20: memref<!tpu.dma_semaphore, #tpu.memory_space<semaphore_mem>>) attributes {dimension_semantics = [#tpu.dimension_semantics<core_parallel>, #tpu.dimension_semantics<subcore_parallel>], iteration_bounds = array<i64: 2, 16>, scalar_prefetch = 0 : i64, scratch_operands = 16 : i64, tpu.core_type = #tpu.core_type<sc_vector_subcore>, window_params = [{transform_indices = #map}, {transform_indices = #map1}, {transform_indices = #map1}]} {
    %mul3A = arith.constant 2 : i32
    %mul3A_0 = arith.muli %arg1, %mul3A : i32
    %add3A = arith.addi %mul3A_0, %arg0 : i32
    %mul3A_1 = arith.constant 10000 : i32
    %mul3A_2 = arith.muli %add3A, %mul3A_1 : i32
    "tpu.region"() ({
      %run_scoped3A = tpu.sem_alloc : memref<!tpu.dma_semaphore, #tpu.memory_space<semaphore_mem>>
      %dma_start3A_32 = tpu.memref_slice %arg2[%mul3A_2] : memref<320000xi32, #tpu.memory_space<hbm>> -> memref<10000xi32, #tpu.memory_space<hbm>>
      %dma_start3A_33 = tpu.memref_slice %arg2[%mul3A_2] : memref<320000xi32, #tpu.memory_space<hbm>> -> memref<10000xi32, #tpu.memory_space<hbm>>
      tpu.enqueue_dma source(%dma_start3A_33 : memref<10000xi32, #tpu.memory_space<hbm>>) target(%arg5 : memref<10000xi32, #tpu.memory_space<vmem>>) target_semaphore(%run_scoped3A : memref<!tpu.dma_semaphore, #tpu.memory_space<semaphore_mem>>)
      %dma_wait3A = tpu.memref_slice %arg2[%mul3A_2] : memref<320000xi32, #tpu.memory_space<hbm>> -> memref<10000xi32, #tpu.memory_space<hbm>>
      %dma_wait3A_34 = tpu.memref_slice %arg2[%mul3A_2] : memref<320000xi32, #tpu.memory_space<hbm>> -> memref<10000xi32, #tpu.memory_space<hbm>>
      tpu.wait_dma2 semaphore(%run_scoped3A : memref<!tpu.dma_semaphore, #tpu.memory_space<semaphore_mem>>) src(%dma_wait3A_34 : memref<10000xi32, #tpu.memory_space<hbm>>) dst(%arg5 : memref<10000xi32, #tpu.memory_space<vmem>>)
      tpu.yield
    }) : () -> ()
    %dma_start3A = arith.constant 0 : i32
    %dma_start3A_3 = tpu.memref_slice %arg5[%dma_start3A] : memref<10000xi32, #tpu.memory_space<vmem>> -> memref<80xi32, #tpu.memory_space<vmem>>
    %dma_start3A_4 = arith.constant 0 : i32
    %dma_start3A_5 = arith.constant 0 : i32
    %dma_start3A_6 = tpu.memref_slice %arg3[%dma_start3A_4, %dma_start3A_5] : memref<10000x256xf32, #tpu.memory_space<hbm>> -> memref<10000x256xf32, #tpu.memory_space<hbm>>
    tpu.enqueue_indirect_dma source(%dma_start3A_6 : memref<10000x256xf32, #tpu.memory_space<hbm>>) target(%arg6 : memref<80x256xf32, #tpu.memory_space<vmem>>) offsets(%dma_start3A_3 : memref<80xi32, #tpu.memory_space<vmem>>) semaphore(%arg11 : memref<!tpu.dma_semaphore, #tpu.memory_space<semaphore_mem>>)
    %dma_start3A_7 = arith.constant 80 : i32
    %dma_start3A_8 = tpu.memref_slice %arg5[%dma_start3A_7] : memref<10000xi32, #tpu.memory_space<vmem>> -> memref<80xi32, #tpu.memory_space<vmem>>
    %dma_start3A_9 = arith.constant 0 : i32
    %dma_start3A_10 = arith.constant 0 : i32
    %dma_start3A_11 = tpu.memref_slice %arg3[%dma_start3A_9, %dma_start3A_10] : memref<10000x256xf32, #tpu.memory_space<hbm>> -> memref<10000x256xf32, #tpu.memory_space<hbm>>
    tpu.enqueue_indirect_dma source(%dma_start3A_11 : memref<10000x256xf32, #tpu.memory_space<hbm>>) target(%arg7 : memref<80x256xf32, #tpu.memory_space<vmem>>) offsets(%dma_start3A_8 : memref<80xi32, #tpu.memory_space<vmem>>) semaphore(%arg12 : memref<!tpu.dma_semaphore, #tpu.memory_space<semaphore_mem>>)
    %dma_start3A_12 = arith.constant 160 : i32
    %dma_start3A_13 = tpu.memref_slice %arg5[%dma_start3A_12] : memref<10000xi32, #tpu.memory_space<vmem>> -> memref<80xi32, #tpu.memory_space<vmem>>
    %dma_start3A_14 = arith.constant 0 : i32
    %dma_start3A_15 = arith.constant 0 : i32
    %dma_start3A_16 = tpu.memref_slice %arg3[%dma_start3A_14, %dma_start3A_15] : memref<10000x256xf32, #tpu.memory_space<hbm>> -> memref<10000x256xf32, #tpu.memory_space<hbm>>
    tpu.enqueue_indirect_dma source(%dma_start3A_16 : memref<10000x256xf32, #tpu.memory_space<hbm>>) target(%arg8 : memref<80x256xf32, #tpu.memory_space<vmem>>) offsets(%dma_start3A_13 : memref<80xi32, #tpu.memory_space<vmem>>) semaphore(%arg13 : memref<!tpu.dma_semaphore, #tpu.memory_space<semaphore_mem>>)
    %dma_start3A_17 = arith.constant 240 : i32
    %dma_start3A_18 = tpu.memref_slice %arg5[%dma_start3A_17] : memref<10000xi32, #tpu.memory_space<vmem>> -> memref<80xi32, #tpu.memory_space<vmem>>
    %dma_start3A_19 = arith.constant 0 : i32
    %dma_start3A_20 = arith.constant 0 : i32
    %dma_start3A_21 = tpu.memref_slice %arg3[%dma_start3A_19, %dma_start3A_20] : memref<10000x256xf32, #tpu.memory_space<hbm>> -> memref<10000x256xf32, #tpu.memory_space<hbm>>
    tpu.enqueue_indirect_dma source(%dma_start3A_21 : memref<10000x256xf32, #tpu.memory_space<hbm>>) target(%arg9 : memref<80x256xf32, #tpu.memory_space<vmem>>) offsets(%dma_start3A_18 : memref<80xi32, #tpu.memory_space<vmem>>) semaphore(%arg14 : memref<!tpu.dma_semaphore, #tpu.memory_space<semaphore_mem>>)
    %dma_start3A_22 = arith.constant 320 : i32
    %dma_start3A_23 = tpu.memref_slice %arg5[%dma_start3A_22] : memref<10000xi32, #tpu.memory_space<vmem>> -> memref<80xi32, #tpu.memory_space<vmem>>
    %dma_start3A_24 = arith.constant 0 : i32
    %dma_start3A_25 = arith.constant 0 : i32
    %dma_start3A_26 = tpu.memref_slice %arg3[%dma_start3A_24, %dma_start3A_25] : memref<10000x256xf32, #tpu.memory_space<hbm>> -> memref<10000x256xf32, #tpu.memory_space<hbm>>
    tpu.enqueue_indirect_dma source(%dma_start3A_26 : memref<10000x256xf32, #tpu.memory_space<hbm>>) target(%arg10 : memref<80x256xf32, #tpu.memory_space<vmem>>) offsets(%dma_start3A_23 : memref<80xi32, #tpu.memory_space<vmem>>) semaphore(%arg15 : memref<!tpu.dma_semaphore, #tpu.memory_space<semaphore_mem>>)
    %scan3A = arith.constant 0 : i32
    %scan3A_27 = arith.constant 0 : i32
    %scan3A_28 = arith.constant 25 : i32
    %scan3A_29 = arith.addi %scan3A_27, %scan3A_28 : i32
    %scan3A_30 = arith.constant 1 : i32
    scf.for %scan3A_32 = %scan3A_27 to %scan3A_29 step %scan3A_30  : i32 {
      %dma_wait3A = arith.constant 0 : i32
      %dma_wait3A_33 = tpu.memref_slice %arg5[%dma_wait3A] : memref<10000xi32, #tpu.memory_space<vmem>> -> memref<80xi32, #tpu.memory_space<vmem>>
      %dma_wait3A_34 = arith.constant 0 : i32
      %dma_wait3A_35 = arith.constant 0 : i32
      %dma_wait3A_36 = tpu.memref_slice %arg3[%dma_wait3A_34, %dma_wait3A_35] : memref<10000x256xf32, #tpu.memory_space<hbm>> -> memref<10000x256xf32, #tpu.memory_space<hbm>>
      tpu.wait_indirect_dma semaphore(%arg11 : memref<!tpu.dma_semaphore, #tpu.memory_space<semaphore_mem>>) src(%dma_wait3A_36 : memref<10000x256xf32, #tpu.memory_space<hbm>>) dst(%arg6 : memref<80x256xf32, #tpu.memory_space<vmem>>)
      %mul3A_37 = arith.constant 5 : i32
      %mul3A_38 = arith.muli %scan3A_32, %mul3A_37 : i32
      %add3A_39 = arith.constant 0 : i32
      %add3A_40 = arith.addi %mul3A_38, %add3A_39 : i32
      %mul3A_41 = arith.constant 80 : i32
      %mul3A_42 = arith.muli %add3A_40, %mul3A_41 : i32
      %add3A_43 = arith.addi %mul3A_2, %mul3A_42 : i32
      %dma_start3A_44 = arith.constant 0 : i32
      %dma_start3A_45 = tpu.memref_slice %arg4[%add3A_43, %dma_start3A_44] : memref<320000x256xf32, #tpu.memory_space<hbm>> -> memref<80x256xf32, #tpu.memory_space<hbm>>
      %dma_start3A_46 = arith.constant 0 : i32
      %dma_start3A_47 = tpu.memref_slice %arg4[%add3A_43, %dma_start3A_46] : memref<320000x256xf32, #tpu.memory_space<hbm>> -> memref<80x256xf32, #tpu.memory_space<hbm>>
      tpu.enqueue_dma source(%arg6 : memref<80x256xf32, #tpu.memory_space<vmem>>) target(%dma_start3A_47 : memref<80x256xf32, #tpu.memory_space<hbm>>) target_semaphore(%arg16 : memref<!tpu.dma_semaphore, #tpu.memory_space<semaphore_mem>>)
      %dma_wait3A_48 = arith.constant 0 : i32
      %dma_wait3A_49 = tpu.memref_slice %arg5[%dma_wait3A_48] : memref<10000xi32, #tpu.memory_space<vmem>> -> memref<80xi32, #tpu.memory_space<vmem>>
      %dma_wait3A_50 = arith.constant 0 : i32
      %dma_wait3A_51 = arith.constant 0 : i32
      %dma_wait3A_52 = tpu.memref_slice %arg3[%dma_wait3A_50, %dma_wait3A_51] : memref<10000x256xf32, #tpu.memory_space<hbm>> -> memref<10000x256xf32, #tpu.memory_space<hbm>>
      tpu.wait_indirect_dma semaphore(%arg12 : memref<!tpu.dma_semaphore, #tpu.memory_space<semaphore_mem>>) src(%dma_wait3A_52 : memref<10000x256xf32, #tpu.memory_space<hbm>>) dst(%arg7 : memref<80x256xf32, #tpu.memory_space<vmem>>)
      %mul3A_53 = arith.constant 5 : i32
      %mul3A_54 = arith.muli %scan3A_32, %mul3A_53 : i32
      %add3A_55 = arith.constant 1 : i32
      %add3A_56 = arith.addi %mul3A_54, %add3A_55 : i32
      %mul3A_57 = arith.constant 80 : i32
      %mul3A_58 = arith.muli %add3A_56, %mul3A_57 : i32
      %add3A_59 = arith.addi %mul3A_2, %mul3A_58 : i32
      %dma_start3A_60 = arith.constant 0 : i32
      %dma_start3A_61 = tpu.memref_slice %arg4[%add3A_59, %dma_start3A_60] : memref<320000x256xf32, #tpu.memory_space<hbm>> -> memref<80x256xf32, #tpu.memory_space<hbm>>
      %dma_start3A_62 = arith.constant 0 : i32
      %dma_start3A_63 = tpu.memref_slice %arg4[%add3A_59, %dma_start3A_62] : memref<320000x256xf32, #tpu.memory_space<hbm>> -> memref<80x256xf32, #tpu.memory_space<hbm>>
      tpu.enqueue_dma source(%arg7 : memref<80x256xf32, #tpu.memory_space<vmem>>) target(%dma_start3A_63 : memref<80x256xf32, #tpu.memory_space<hbm>>) target_semaphore(%arg17 : memref<!tpu.dma_semaphore, #tpu.memory_space<semaphore_mem>>)
      %dma_wait3A_64 = arith.constant 0 : i32
      %dma_wait3A_65 = tpu.memref_slice %arg5[%dma_wait3A_64] : memref<10000xi32, #tpu.memory_space<vmem>> -> memref<80xi32, #tpu.memory_space<vmem>>
      %dma_wait3A_66 = arith.constant 0 : i32
      %dma_wait3A_67 = arith.constant 0 : i32
      %dma_wait3A_68 = tpu.memref_slice %arg3[%dma_wait3A_66, %dma_wait3A_67] : memref<10000x256xf32, #tpu.memory_space<hbm>> -> memref<10000x256xf32, #tpu.memory_space<hbm>>
      tpu.wait_indirect_dma semaphore(%arg13 : memref<!tpu.dma_semaphore, #tpu.memory_space<semaphore_mem>>) src(%dma_wait3A_68 : memref<10000x256xf32, #tpu.memory_space<hbm>>) dst(%arg8 : memref<80x256xf32, #tpu.memory_space<vmem>>)
      %mul3A_69 = arith.constant 5 : i32
      %mul3A_70 = arith.muli %scan3A_32, %mul3A_69 : i32
      %add3A_71 = arith.constant 2 : i32
      %add3A_72 = arith.addi %mul3A_70, %add3A_71 : i32
      %mul3A_73 = arith.constant 80 : i32
      %mul3A_74 = arith.muli %add3A_72, %mul3A_73 : i32
      %add3A_75 = arith.addi %mul3A_2, %mul3A_74 : i32
      %dma_start3A_76 = arith.constant 0 : i32
      %dma_start3A_77 = tpu.memref_slice %arg4[%add3A_75, %dma_start3A_76] : memref<320000x256xf32, #tpu.memory_space<hbm>> -> memref<80x256xf32, #tpu.memory_space<hbm>>
      %dma_start3A_78 = arith.constant 0 : i32
      %dma_start3A_79 = tpu.memref_slice %arg4[%add3A_75, %dma_start3A_78] : memref<320000x256xf32, #tpu.memory_space<hbm>> -> memref<80x256xf32, #tpu.memory_space<hbm>>
      tpu.enqueue_dma source(%arg8 : memref<80x256xf32, #tpu.memory_space<vmem>>) target(%dma_start3A_79 : memref<80x256xf32, #tpu.memory_space<hbm>>) target_semaphore(%arg18 : memref<!tpu.dma_semaphore, #tpu.memory_space<semaphore_mem>>)
      %dma_wait3A_80 = arith.constant 0 : i32
      %dma_wait3A_81 = tpu.memref_slice %arg5[%dma_wait3A_80] : memref<10000xi32, #tpu.memory_space<vmem>> -> memref<80xi32, #tpu.memory_space<vmem>>
      %dma_wait3A_82 = arith.constant 0 : i32
      %dma_wait3A_83 = arith.constant 0 : i32
      %dma_wait3A_84 = tpu.memref_slice %arg3[%dma_wait3A_82, %dma_wait3A_83] : memref<10000x256xf32, #tpu.memory_space<hbm>> -> memref<10000x256xf32, #tpu.memory_space<hbm>>
      tpu.wait_indirect_dma semaphore(%arg14 : memref<!tpu.dma_semaphore, #tpu.memory_space<semaphore_mem>>) src(%dma_wait3A_84 : memref<10000x256xf32, #tpu.memory_space<hbm>>) dst(%arg9 : memref<80x256xf32, #tpu.memory_space<vmem>>)
      %mul3A_85 = arith.constant 5 : i32
      %mul3A_86 = arith.muli %scan3A_32, %mul3A_85 : i32
      %add3A_87 = arith.constant 3 : i32
      %add3A_88 = arith.addi %mul3A_86, %add3A_87 : i32
      %mul3A_89 = arith.constant 80 : i32
      %mul3A_90 = arith.muli %add3A_88, %mul3A_89 : i32
      %add3A_91 = arith.addi %mul3A_2, %mul3A_90 : i32
      %dma_start3A_92 = arith.constant 0 : i32
      %dma_start3A_93 = tpu.memref_slice %arg4[%add3A_91, %dma_start3A_92] : memref<320000x256xf32, #tpu.memory_space<hbm>> -> memref<80x256xf32, #tpu.memory_space<hbm>>
      %dma_start3A_94 = arith.constant 0 : i32
      %dma_start3A_95 = tpu.memref_slice %arg4[%add3A_91, %dma_start3A_94] : memref<320000x256xf32, #tpu.memory_space<hbm>> -> memref<80x256xf32, #tpu.memory_space<hbm>>
      tpu.enqueue_dma source(%arg9 : memref<80x256xf32, #tpu.memory_space<vmem>>) target(%dma_start3A_95 : memref<80x256xf32, #tpu.memory_space<hbm>>) target_semaphore(%arg19 : memref<!tpu.dma_semaphore, #tpu.memory_space<semaphore_mem>>)
      %dma_wait3A_96 = arith.constant 0 : i32
      %dma_wait3A_97 = tpu.memref_slice %arg5[%dma_wait3A_96] : memref<10000xi32, #tpu.memory_space<vmem>> -> memref<80xi32, #tpu.memory_space<vmem>>
      %dma_wait3A_98 = arith.constant 0 : i32
      %dma_wait3A_99 = arith.constant 0 : i32
      %dma_wait3A_100 = tpu.memref_slice %arg3[%dma_wait3A_98, %dma_wait3A_99] : memref<10000x256xf32, #tpu.memory_space<hbm>> -> memref<10000x256xf32, #tpu.memory_space<hbm>>
      tpu.wait_indirect_dma semaphore(%arg15 : memref<!tpu.dma_semaphore, #tpu.memory_space<semaphore_mem>>) src(%dma_wait3A_100 : memref<10000x256xf32, #tpu.memory_space<hbm>>) dst(%arg10 : memref<80x256xf32, #tpu.memory_space<vmem>>)
      %mul3A_101 = arith.constant 5 : i32
      %mul3A_102 = arith.muli %scan3A_32, %mul3A_101 : i32
      %add3A_103 = arith.constant 4 : i32
      %add3A_104 = arith.addi %mul3A_102, %add3A_103 : i32
      %mul3A_105 = arith.constant 80 : i32
      %mul3A_106 = arith.muli %add3A_104, %mul3A_105 : i32
      %add3A_107 = arith.addi %mul3A_2, %mul3A_106 : i32
      %dma_start3A_108 = arith.constant 0 : i32
      %dma_start3A_109 = tpu.memref_slice %arg4[%add3A_107, %dma_start3A_108] : memref<320000x256xf32, #tpu.memory_space<hbm>> -> memref<80x256xf32, #tpu.memory_space<hbm>>
      %dma_start3A_110 = arith.constant 0 : i32
      %dma_start3A_111 = tpu.memref_slice %arg4[%add3A_107, %dma_start3A_110] : memref<320000x256xf32, #tpu.memory_space<hbm>> -> memref<80x256xf32, #tpu.memory_space<hbm>>
      tpu.enqueue_dma source(%arg10 : memref<80x256xf32, #tpu.memory_space<vmem>>) target(%dma_start3A_111 : memref<80x256xf32, #tpu.memory_space<hbm>>) target_semaphore(%arg20 : memref<!tpu.dma_semaphore, #tpu.memory_space<semaphore_mem>>)
      %dma_wait3A_112 = arith.constant 0 : i32
      %dma_wait3A_113 = tpu.memref_slice %arg4[%mul3A_2, %dma_wait3A_112] : memref<320000x256xf32, #tpu.memory_space<hbm>> -> memref<80x256xf32, #tpu.memory_space<hbm>>
      %dma_wait3A_114 = arith.constant 0 : i32
      %dma_wait3A_115 = tpu.memref_slice %arg4[%mul3A_2, %dma_wait3A_114] : memref<320000x256xf32, #tpu.memory_space<hbm>> -> memref<80x256xf32, #tpu.memory_space<hbm>>
      tpu.wait_dma2 semaphore(%arg16 : memref<!tpu.dma_semaphore, #tpu.memory_space<semaphore_mem>>) src(%arg6 : memref<80x256xf32, #tpu.memory_space<vmem>>) dst(%dma_wait3A_115 : memref<80x256xf32, #tpu.memory_space<hbm>>)
      %add3A_116 = arith.constant 1 : i32
      %add3A_117 = arith.addi %scan3A_32, %add3A_116 : i32
      %mul3A_118 = arith.constant 5 : i32
      %mul3A_119 = arith.muli %add3A_117, %mul3A_118 : i32
      %add3A_120 = arith.constant 0 : i32
      %add3A_121 = arith.addi %mul3A_119, %add3A_120 : i32
      %lt3A = arith.constant 125 : i32
      %lt3A_122 = arith.cmpi slt, %add3A_121, %lt3A : i32
      %convert_element_type3A = arith.extui %lt3A_122 : i1 to i32
      %cond3A = arith.constant 0 : i32
      %cond3A_123 = arith.cmpi ne, %convert_element_type3A, %cond3A : i32
      scf.if %cond3A_123 {
        %mul3A_184 = arith.constant 80 : i32
        %mul3A_185 = arith.muli %add3A_121, %mul3A_184 : i32
        %dma_start3A_186 = tpu.memref_slice %arg5[%mul3A_185] : memref<10000xi32, #tpu.memory_space<vmem>> -> memref<80xi32, #tpu.memory_space<vmem>>
        %dma_start3A_187 = arith.constant 0 : i32
        %dma_start3A_188 = arith.constant 0 : i32
        %dma_start3A_189 = tpu.memref_slice %arg3[%dma_start3A_187, %dma_start3A_188] : memref<10000x256xf32, #tpu.memory_space<hbm>> -> memref<10000x256xf32, #tpu.memory_space<hbm>>
        tpu.enqueue_indirect_dma source(%dma_start3A_189 : memref<10000x256xf32, #tpu.memory_space<hbm>>) target(%arg6 : memref<80x256xf32, #tpu.memory_space<vmem>>) offsets(%dma_start3A_186 : memref<80xi32, #tpu.memory_space<vmem>>) semaphore(%arg11 : memref<!tpu.dma_semaphore, #tpu.memory_space<semaphore_mem>>)
      } else {
      }
      %dma_wait3A_124 = arith.constant 0 : i32
      %dma_wait3A_125 = tpu.memref_slice %arg4[%mul3A_2, %dma_wait3A_124] : memref<320000x256xf32, #tpu.memory_space<hbm>> -> memref<80x256xf32, #tpu.memory_space<hbm>>
      %dma_wait3A_126 = arith.constant 0 : i32
      %dma_wait3A_127 = tpu.memref_slice %arg4[%mul3A_2, %dma_wait3A_126] : memref<320000x256xf32, #tpu.memory_space<hbm>> -> memref<80x256xf32, #tpu.memory_space<hbm>>
      tpu.wait_dma2 semaphore(%arg17 : memref<!tpu.dma_semaphore, #tpu.memory_space<semaphore_mem>>) src(%arg7 : memref<80x256xf32, #tpu.memory_space<vmem>>) dst(%dma_wait3A_127 : memref<80x256xf32, #tpu.memory_space<hbm>>)
      %add3A_128 = arith.constant 1 : i32
      %add3A_129 = arith.addi %scan3A_32, %add3A_128 : i32
      %mul3A_130 = arith.constant 5 : i32
      %mul3A_131 = arith.muli %add3A_129, %mul3A_130 : i32
      %add3A_132 = arith.constant 1 : i32
      %add3A_133 = arith.addi %mul3A_131, %add3A_132 : i32
      %lt3A_134 = arith.constant 125 : i32
      %lt3A_135 = arith.cmpi slt, %add3A_133, %lt3A_134 : i32
      %convert_element_type3A_136 = arith.extui %lt3A_135 : i1 to i32
      %cond3A_137 = arith.constant 0 : i32
      %cond3A_138 = arith.cmpi ne, %convert_element_type3A_136, %cond3A_137 : i32
      scf.if %cond3A_138 {
        %mul3A_184 = arith.constant 80 : i32
        %mul3A_185 = arith.muli %add3A_133, %mul3A_184 : i32
        %dma_start3A_186 = tpu.memref_slice %arg5[%mul3A_185] : memref<10000xi32, #tpu.memory_space<vmem>> -> memref<80xi32, #tpu.memory_space<vmem>>
        %dma_start3A_187 = arith.constant 0 : i32
        %dma_start3A_188 = arith.constant 0 : i32
        %dma_start3A_189 = tpu.memref_slice %arg3[%dma_start3A_187, %dma_start3A_188] : memref<10000x256xf32, #tpu.memory_space<hbm>> -> memref<10000x256xf32, #tpu.memory_space<hbm>>
        tpu.enqueue_indirect_dma source(%dma_start3A_189 : memref<10000x256xf32, #tpu.memory_space<hbm>>) target(%arg7 : memref<80x256xf32, #tpu.memory_space<vmem>>) offsets(%dma_start3A_186 : memref<80xi32, #tpu.memory_space<vmem>>) semaphore(%arg12 : memref<!tpu.dma_semaphore, #tpu.memory_space<semaphore_mem>>)
      } else {
      }
      %dma_wait3A_139 = arith.constant 0 : i32
      %dma_wait3A_140 = tpu.memref_slice %arg4[%mul3A_2, %dma_wait3A_139] : memref<320000x256xf32, #tpu.memory_space<hbm>> -> memref<80x256xf32, #tpu.memory_space<hbm>>
      %dma_wait3A_141 = arith.constant 0 : i32
      %dma_wait3A_142 = tpu.memref_slice %arg4[%mul3A_2, %dma_wait3A_141] : memref<320000x256xf32, #tpu.memory_space<hbm>> -> memref<80x256xf32, #tpu.memory_space<hbm>>
      tpu.wait_dma2 semaphore(%arg18 : memref<!tpu.dma_semaphore, #tpu.memory_space<semaphore_mem>>) src(%arg8 : memref<80x256xf32, #tpu.memory_space<vmem>>) dst(%dma_wait3A_142 : memref<80x256xf32, #tpu.memory_space<hbm>>)
      %add3A_143 = arith.constant 1 : i32
      %add3A_144 = arith.addi %scan3A_32, %add3A_143 : i32
      %mul3A_145 = arith.constant 5 : i32
      %mul3A_146 = arith.muli %add3A_144, %mul3A_145 : i32
      %add3A_147 = arith.constant 2 : i32
      %add3A_148 = arith.addi %mul3A_146, %add3A_147 : i32
      %lt3A_149 = arith.constant 125 : i32
      %lt3A_150 = arith.cmpi slt, %add3A_148, %lt3A_149 : i32
      %convert_element_type3A_151 = arith.extui %lt3A_150 : i1 to i32
      %cond3A_152 = arith.constant 0 : i32
      %cond3A_153 = arith.cmpi ne, %convert_element_type3A_151, %cond3A_152 : i32
      scf.if %cond3A_153 {
        %mul3A_184 = arith.constant 80 : i32
        %mul3A_185 = arith.muli %add3A_148, %mul3A_184 : i32
        %dma_start3A_186 = tpu.memref_slice %arg5[%mul3A_185] : memref<10000xi32, #tpu.memory_space<vmem>> -> memref<80xi32, #tpu.memory_space<vmem>>
        %dma_start3A_187 = arith.constant 0 : i32
        %dma_start3A_188 = arith.constant 0 : i32
        %dma_start3A_189 = tpu.memref_slice %arg3[%dma_start3A_187, %dma_start3A_188] : memref<10000x256xf32, #tpu.memory_space<hbm>> -> memref<10000x256xf32, #tpu.memory_space<hbm>>
        tpu.enqueue_indirect_dma source(%dma_start3A_189 : memref<10000x256xf32, #tpu.memory_space<hbm>>) target(%arg8 : memref<80x256xf32, #tpu.memory_space<vmem>>) offsets(%dma_start3A_186 : memref<80xi32, #tpu.memory_space<vmem>>) semaphore(%arg13 : memref<!tpu.dma_semaphore, #tpu.memory_space<semaphore_mem>>)
      } else {
      }
      %dma_wait3A_154 = arith.constant 0 : i32
      %dma_wait3A_155 = tpu.memref_slice %arg4[%mul3A_2, %dma_wait3A_154] : memref<320000x256xf32, #tpu.memory_space<hbm>> -> memref<80x256xf32, #tpu.memory_space<hbm>>
      %dma_wait3A_156 = arith.constant 0 : i32
      %dma_wait3A_157 = tpu.memref_slice %arg4[%mul3A_2, %dma_wait3A_156] : memref<320000x256xf32, #tpu.memory_space<hbm>> -> memref<80x256xf32, #tpu.memory_space<hbm>>
      tpu.wait_dma2 semaphore(%arg19 : memref<!tpu.dma_semaphore, #tpu.memory_space<semaphore_mem>>) src(%arg9 : memref<80x256xf32, #tpu.memory_space<vmem>>) dst(%dma_wait3A_157 : memref<80x256xf32, #tpu.memory_space<hbm>>)
      %add3A_158 = arith.constant 1 : i32
      %add3A_159 = arith.addi %scan3A_32, %add3A_158 : i32
      %mul3A_160 = arith.constant 5 : i32
      %mul3A_161 = arith.muli %add3A_159, %mul3A_160 : i32
      %add3A_162 = arith.constant 3 : i32
      %add3A_163 = arith.addi %mul3A_161, %add3A_162 : i32
      %lt3A_164 = arith.constant 125 : i32
      %lt3A_165 = arith.cmpi slt, %add3A_163, %lt3A_164 : i32
      %convert_element_type3A_166 = arith.extui %lt3A_165 : i1 to i32
      %cond3A_167 = arith.constant 0 : i32
      %cond3A_168 = arith.cmpi ne, %convert_element_type3A_166, %cond3A_167 : i32
      scf.if %cond3A_168 {
        %mul3A_184 = arith.constant 80 : i32
        %mul3A_185 = arith.muli %add3A_163, %mul3A_184 : i32
        %dma_start3A_186 = tpu.memref_slice %arg5[%mul3A_185] : memref<10000xi32, #tpu.memory_space<vmem>> -> memref<80xi32, #tpu.memory_space<vmem>>
        %dma_start3A_187 = arith.constant 0 : i32
        %dma_start3A_188 = arith.constant 0 : i32
        %dma_start3A_189 = tpu.memref_slice %arg3[%dma_start3A_187, %dma_start3A_188] : memref<10000x256xf32, #tpu.memory_space<hbm>> -> memref<10000x256xf32, #tpu.memory_space<hbm>>
        tpu.enqueue_indirect_dma source(%dma_start3A_189 : memref<10000x256xf32, #tpu.memory_space<hbm>>) target(%arg9 : memref<80x256xf32, #tpu.memory_space<vmem>>) offsets(%dma_start3A_186 : memref<80xi32, #tpu.memory_space<vmem>>) semaphore(%arg14 : memref<!tpu.dma_semaphore, #tpu.memory_space<semaphore_mem>>)
      } else {
      }
      %dma_wait3A_169 = arith.constant 0 : i32
      %dma_wait3A_170 = tpu.memref_slice %arg4[%mul3A_2, %dma_wait3A_169] : memref<320000x256xf32, #tpu.memory_space<hbm>> -> memref<80x256xf32, #tpu.memory_space<hbm>>
      %dma_wait3A_171 = arith.constant 0 : i32
      %dma_wait3A_172 = tpu.memref_slice %arg4[%mul3A_2, %dma_wait3A_171] : memref<320000x256xf32, #tpu.memory_space<hbm>> -> memref<80x256xf32, #tpu.memory_space<hbm>>
      tpu.wait_dma2 semaphore(%arg20 : memref<!tpu.dma_semaphore, #tpu.memory_space<semaphore_mem>>) src(%arg10 : memref<80x256xf32, #tpu.memory_space<vmem>>) dst(%dma_wait3A_172 : memref<80x256xf32, #tpu.memory_space<hbm>>)
      %add3A_173 = arith.constant 1 : i32
      %add3A_174 = arith.addi %scan3A_32, %add3A_173 : i32
      %mul3A_175 = arith.constant 5 : i32
      %mul3A_176 = arith.muli %add3A_174, %mul3A_175 : i32
      %add3A_177 = arith.constant 4 : i32
      %add3A_178 = arith.addi %mul3A_176, %add3A_177 : i32
      %lt3A_179 = arith.constant 125 : i32
      %lt3A_180 = arith.cmpi slt, %add3A_178, %lt3A_179 : i32
      %convert_element_type3A_181 = arith.extui %lt3A_180 : i1 to i32
      %cond3A_182 = arith.constant 0 : i32
      %cond3A_183 = arith.cmpi ne, %convert_element_type3A_181, %cond3A_182 : i32
      scf.if %cond3A_183 {
        %mul3A_184 = arith.constant 80 : i32
        %mul3A_185 = arith.muli %add3A_178, %mul3A_184 : i32
        %dma_start3A_186 = tpu.memref_slice %arg5[%mul3A_185] : memref<10000xi32, #tpu.memory_space<vmem>> -> memref<80xi32, #tpu.memory_space<vmem>>
        %dma_start3A_187 = arith.constant 0 : i32
        %dma_start3A_188 = arith.constant 0 : i32
        %dma_start3A_189 = tpu.memref_slice %arg3[%dma_start3A_187, %dma_start3A_188] : memref<10000x256xf32, #tpu.memory_space<hbm>> -> memref<10000x256xf32, #tpu.memory_space<hbm>>
        tpu.enqueue_indirect_dma source(%dma_start3A_189 : memref<10000x256xf32, #tpu.memory_space<hbm>>) target(%arg10 : memref<80x256xf32, #tpu.memory_space<vmem>>) offsets(%dma_start3A_186 : memref<80xi32, #tpu.memory_space<vmem>>) semaphore(%arg15 : memref<!tpu.dma_semaphore, #tpu.memory_space<semaphore_mem>>)
      } else {
      }
    }
    %scan3A_31 = arith.constant 25 : i32
    return
  }
}

module attributes {stable_mosaic.version = 14 : i64} {
  func.func @_neighbor_kernel(%arg0: i32, %arg1: memref<256x3xf32, #tpu.memory_space<vmem>>, %arg2: memref<3x40x256xf32, #tpu.memory_space<vmem>>, %arg3: memref<256x32xi32, #tpu.memory_space<vmem>>, %arg4: memref<256x1xi32, #tpu.memory_space<vmem>>) attributes {dimension_semantics = [#tpu.dimension_semantics<arbitrary>], iteration_bounds = array<i64: 40>, scalar_prefetch = 0 : i64, scratch_operands = 0 : i64, tpu.core_type = #tpu.core_type<tc>, window_params = [{transform_indices = @transform_0, window_bounds = array<i64: 256, 3>}, {pipeline_mode = #tpu.pipeline_mode<synchronous>, transform_indices = @transform_1, window_bounds = array<i64: 3, 40, 256>}, {transform_indices = @transform_2, window_bounds = array<i64: 256, 32>}, {transform_indices = @transform_3, window_bounds = array<i64: 256, 1>}]} {
    %get3A = arith.constant 0 : index
    %get3A_0 = arith.constant 0 : index
    %get3A_1 = vector.load %arg1[%get3A, %get3A_0] : memref<256x3xf32, #tpu.memory_space<vmem>>, vector<256x1xf32>
    %get3A_2 = arith.constant 0 : index
    %get3A_3 = arith.constant 1 : index
    %get3A_4 = vector.load %arg1[%get3A_2, %get3A_3] : memref<256x3xf32, #tpu.memory_space<vmem>>, vector<256x1xf32>
    %get3A_5 = arith.constant 0 : index
    %get3A_6 = arith.constant 2 : index
    %get3A_7 = vector.load %arg1[%get3A_5, %get3A_6] : memref<256x3xf32, #tpu.memory_space<vmem>>, vector<256x1xf32>
    %mul3A = arith.constant 256 : i32
    %mul3A_8 = arith.muli %arg0, %mul3A : i32
    %iota3A = tpu.iota {dimensions = array<i32: 0>} : vector<256x1xi32>
    %add3A = vector.broadcast %mul3A_8 : i32 to vector<256x1xi32>
    %add3A_9 = arith.addi %add3A, %iota3A : vector<256x1xi32>
    %iota3A_10 = tpu.iota {dimensions = array<i32: 1>} : vector<256x32xi32>
    %iota3A_11 = tpu.iota {dimensions = array<i32: 0>} : vector<256x256xi32>
    %iota3A_12 = tpu.iota {dimensions = array<i32: 1>} : vector<256x256xi32>
    %le3A = arith.cmpi sle, %iota3A_11, %iota3A_12 : vector<256x256xi32>
    %convert_element_type3A = arith.extui %le3A : vector<256x256xi1> to vector<256x256xi32>
    %convert_element_type3A_13 = arith.sitofp %convert_element_type3A : vector<256x256xi32> to vector<256x256xf32>
    %convert_element_type3A_14 = arith.truncf %convert_element_type3A_13 : vector<256x256xf32> to vector<256x256xbf16>
    %iota3A_15 = tpu.iota {dimensions = array<i32: 0>} : vector<256x1xi32>
    %convert_element_type3A_16 = arith.sitofp %iota3A_15 : vector<256x1xi32> to vector<256x1xf32>
    %broadcast_in_dim3A = arith.constant 0 : i32
    %broadcast_in_dim3A_17 = vector.broadcast %broadcast_in_dim3A : i32 to vector<256x1xi32>
    %mul3A_18 = arith.constant 32 : i32
    %mul3A_19 = vector.broadcast %mul3A_18 : i32 to vector<256x1xi32>
    %mul3A_20 = arith.muli %add3A_9, %mul3A_19 : vector<256x1xi32>
    %add3A_21 = vector.broadcast %mul3A_20 : vector<256x1xi32> to vector<256x32xi32>
    %add3A_22 = arith.addi %add3A_21, %iota3A_10 : vector<256x32xi32>
    %rem3A = arith.constant 10000 : i32
    %rem3A_23 = vector.broadcast %rem3A : i32 to vector<256x32xi32>
    %rem3A_24 = arith.remsi %add3A_22, %rem3A_23 : vector<256x32xi32>
    %scan3A = arith.constant 0 : i32
    %scan3A_25 = arith.constant 40 : i32
    %scan3A_26 = arith.addi %scan3A, %scan3A_25 : i32
    %scan3A_27 = arith.constant 1 : i32
    %scan3A_28:2 = scf.for %scan3A_37 = %scan3A to %scan3A_26 step %scan3A_27 iter_args(%scan3A_38 = %broadcast_in_dim3A_17, %scan3A_39 = %rem3A_24) -> (vector<256x1xi32>, vector<256x32xi32>)  : i32 {
      %get3A_40 = arith.constant 0 : index
      %get3A_41 = arith.index_cast %scan3A_37 : i32 to index
      %get3A_42 = arith.constant 0 : index
      %get3A_43 = vector.load %arg2[%get3A_40, %get3A_41, %get3A_42] : memref<3x40x256xf32, #tpu.memory_space<vmem>>, vector<1x1x256xf32>
      %reshape3A = vector.shape_cast %get3A_43 : vector<1x1x256xf32> to vector<1x256xf32>
      %get3A_44 = arith.constant 1 : index
      %get3A_45 = arith.index_cast %scan3A_37 : i32 to index
      %get3A_46 = arith.constant 0 : index
      %get3A_47 = vector.load %arg2[%get3A_44, %get3A_45, %get3A_46] : memref<3x40x256xf32, #tpu.memory_space<vmem>>, vector<1x1x256xf32>
      %reshape3A_48 = vector.shape_cast %get3A_47 : vector<1x1x256xf32> to vector<1x256xf32>
      %get3A_49 = arith.constant 2 : index
      %get3A_50 = arith.index_cast %scan3A_37 : i32 to index
      %get3A_51 = arith.constant 0 : index
      %get3A_52 = vector.load %arg2[%get3A_49, %get3A_50, %get3A_51] : memref<3x40x256xf32, #tpu.memory_space<vmem>>, vector<1x1x256xf32>
      %reshape3A_53 = vector.shape_cast %get3A_52 : vector<1x1x256xf32> to vector<1x256xf32>
      %sub3A = vector.broadcast %get3A_1 : vector<256x1xf32> to vector<256x256xf32>
      %sub3A_54 = vector.broadcast %reshape3A : vector<1x256xf32> to vector<256x256xf32>
      %sub3A_55 = arith.subf %sub3A, %sub3A_54 : vector<256x256xf32>
      %sub3A_56 = vector.broadcast %get3A_4 : vector<256x1xf32> to vector<256x256xf32>
      %sub3A_57 = vector.broadcast %reshape3A_48 : vector<1x256xf32> to vector<256x256xf32>
      %sub3A_58 = arith.subf %sub3A_56, %sub3A_57 : vector<256x256xf32>
      %sub3A_59 = vector.broadcast %get3A_7 : vector<256x1xf32> to vector<256x256xf32>
      %sub3A_60 = vector.broadcast %reshape3A_53 : vector<1x256xf32> to vector<256x256xf32>
      %sub3A_61 = arith.subf %sub3A_59, %sub3A_60 : vector<256x256xf32>
      %mul3A_62 = arith.mulf %sub3A_55, %sub3A_55 : vector<256x256xf32>
      %mul3A_63 = arith.mulf %sub3A_58, %sub3A_58 : vector<256x256xf32>
      %add3A_64 = arith.addf %mul3A_62, %mul3A_63 : vector<256x256xf32>
      %mul3A_65 = arith.mulf %sub3A_61, %sub3A_61 : vector<256x256xf32>
      %add3A_66 = arith.addf %add3A_64, %mul3A_65 : vector<256x256xf32>
      %mul3A_67 = arith.constant 256 : i32
      %mul3A_68 = arith.muli %scan3A_37, %mul3A_67 : i32
      %iota3A_69 = tpu.iota {dimensions = array<i32: 1>} : vector<256x256xi32>
      %add3A_70 = vector.broadcast %mul3A_68 : i32 to vector<256x256xi32>
      %add3A_71 = arith.addi %add3A_70, %iota3A_69 : vector<256x256xi32>
      %le3A_72 = arith.constant 2.500000e-03 : f32
      %le3A_73 = vector.broadcast %le3A_72 : f32 to vector<256x256xf32>
      %le3A_74 = arith.cmpf ole, %add3A_66, %le3A_73 : vector<256x256xf32>
      %ne3A = vector.broadcast %add3A_9 : vector<256x1xi32> to vector<256x256xi32>
      %ne3A_75 = arith.cmpi ne, %add3A_71, %ne3A : vector<256x256xi32>
      %and3A = arith.andi %le3A_74, %ne3A_75 : vector<256x256xi1>
      %convert_element_type3A_76 = arith.extui %and3A : vector<256x256xi1> to vector<256x256xi32>
      %convert_element_type3A_77 = arith.sitofp %convert_element_type3A_76 : vector<256x256xi32> to vector<256x256xf32>
      %convert_element_type3A_78 = arith.truncf %convert_element_type3A_77 : vector<256x256xf32> to vector<256x256xbf16>
      %dot_general3A = arith.constant dense<0.000000e+00> : vector<256x256xf32>
      %dot_general3A_79 = tpu.matmul %convert_element_type3A_78, %convert_element_type3A_14, %dot_general3A {dimension_numbers = #tpu.dot_dimension_numbers<[1], [0], [0], [1], [0, 0, 1, 1], [], []>, transpose_lhs_hint = false} : vector<256x256xbf16>, vector<256x256xbf16>, vector<256x256xf32> -> vector<256x256xf32>
      %slice3A = vector.extract_strided_slice %dot_general3A_79 {offsets = [0, 255], sizes = [256, 1], strides = [1, 1]} : vector<256x256xf32> to vector<256x1xf32>
      %convert_element_type3A_80 = arith.fptosi %slice3A : vector<256x1xf32> to vector<256x1xi32>
      %jit3A = arith.constant 0.000000e+00 : f32
      %broadcast_in_dim3A_81 = vector.broadcast %jit3A : f32 to vector<256x256xf32>
      %select_n3A = arith.select %and3A, %dot_general3A_79, %broadcast_in_dim3A_81 : vector<256x256xi1>, vector<256x256xf32>
      %eq3A = arith.constant 1.000000e+00 : f32
      %eq3A_82 = vector.broadcast %eq3A : f32 to vector<256x256xf32>
      %eq3A_83 = arith.cmpf oeq, %select_n3A, %eq3A_82 : vector<256x256xf32>
      %convert_element_type3A_84 = arith.extui %eq3A_83 : vector<256x256xi1> to vector<256x256xi32>
      %convert_element_type3A_85 = arith.sitofp %convert_element_type3A_84 : vector<256x256xi32> to vector<256x256xf32>
      %dot_general3A_86 = arith.constant dense<0.000000e+00> : vector<256x1xf32>
      %dot_general3A_87 = tpu.matmul %convert_element_type3A_85, %convert_element_type3A_16, %dot_general3A_86 {dimension_numbers = #tpu.dot_dimension_numbers<[1], [0], [0], [1], [0, 0, 1, 1], [], []>, transpose_lhs_hint = false} : vector<256x256xf32>, vector<256x1xf32>, vector<256x1xf32> -> vector<256x1xf32>
      %mul3A_88 = arith.constant 256 : i32
      %mul3A_89 = arith.muli %scan3A_37, %mul3A_88 : i32
      %convert_element_type3A_90 = arith.fptosi %dot_general3A_87 : vector<256x1xf32> to vector<256x1xi32>
      %add3A_91 = vector.broadcast %mul3A_89 : i32 to vector<256x1xi32>
      %add3A_92 = arith.addi %add3A_91, %convert_element_type3A_90 : vector<256x1xi32>
      %add3A_93 = arith.constant 0 : i32
      %add3A_94 = vector.broadcast %add3A_93 : i32 to vector<256x1xi32>
      %add3A_95 = arith.addi %scan3A_38, %add3A_94 : vector<256x1xi32>
      %eq3A_96 = vector.broadcast %add3A_95 : vector<256x1xi32> to vector<256x32xi32>
      %eq3A_97 = arith.cmpi eq, %iota3A_10, %eq3A_96 : vector<256x32xi32>
      %gt3A = arith.constant 0 : i32
      %gt3A_98 = vector.broadcast %gt3A : i32 to vector<256x1xi32>
      %gt3A_99 = arith.cmpi sgt, %convert_element_type3A_80, %gt3A_98 : vector<256x1xi32>
      %and3A_100 = vector.broadcast %gt3A_99 : vector<256x1xi1> to vector<256x32xi1>
      %and3A_101 = arith.andi %eq3A_97, %and3A_100 : vector<256x32xi1>
      %broadcast_in_dim3A_102 = vector.shape_cast %add3A_92 : vector<256x1xi32> to vector<256x1xi32>
      %broadcast_in_dim3A_103 = vector.broadcast %broadcast_in_dim3A_102 : vector<256x1xi32> to vector<256x32xi32>
      %select_n3A_104 = arith.select %and3A_101, %broadcast_in_dim3A_103, %scan3A_39 : vector<256x32xi1>, vector<256x32xi32>
      %eq3A_105 = arith.constant 2.000000e+00 : f32
      %eq3A_106 = vector.broadcast %eq3A_105 : f32 to vector<256x256xf32>
      %eq3A_107 = arith.cmpf oeq, %select_n3A, %eq3A_106 : vector<256x256xf32>
      %convert_element_type3A_108 = arith.extui %eq3A_107 : vector<256x256xi1> to vector<256x256xi32>
      %convert_element_type3A_109 = arith.sitofp %convert_element_type3A_108 : vector<256x256xi32> to vector<256x256xf32>
      %dot_general3A_110 = arith.constant dense<0.000000e+00> : vector<256x1xf32>
      %dot_general3A_111 = tpu.matmul %convert_element_type3A_109, %convert_element_type3A_16, %dot_general3A_110 {dimension_numbers = #tpu.dot_dimension_numbers<[1], [0], [0], [1], [0, 0, 1, 1], [], []>, transpose_lhs_hint = false} : vector<256x256xf32>, vector<256x1xf32>, vector<256x1xf32> -> vector<256x1xf32>
      %mul3A_112 = arith.constant 256 : i32
      %mul3A_113 = arith.muli %scan3A_37, %mul3A_112 : i32
      %convert_element_type3A_114 = arith.fptosi %dot_general3A_111 : vector<256x1xf32> to vector<256x1xi32>
      %add3A_115 = vector.broadcast %mul3A_113 : i32 to vector<256x1xi32>
      %add3A_116 = arith.addi %add3A_115, %convert_element_type3A_114 : vector<256x1xi32>
      %add3A_117 = arith.constant 1 : i32
      %add3A_118 = vector.broadcast %add3A_117 : i32 to vector<256x1xi32>
      %add3A_119 = arith.addi %scan3A_38, %add3A_118 : vector<256x1xi32>
      %eq3A_120 = vector.broadcast %add3A_119 : vector<256x1xi32> to vector<256x32xi32>
      %eq3A_121 = arith.cmpi eq, %iota3A_10, %eq3A_120 : vector<256x32xi32>
      %gt3A_122 = arith.constant 1 : i32
      %gt3A_123 = vector.broadcast %gt3A_122 : i32 to vector<256x1xi32>
      %gt3A_124 = arith.cmpi sgt, %convert_element_type3A_80, %gt3A_123 : vector<256x1xi32>
      %and3A_125 = vector.broadcast %gt3A_124 : vector<256x1xi1> to vector<256x32xi1>
      %and3A_126 = arith.andi %eq3A_121, %and3A_125 : vector<256x32xi1>
      %broadcast_in_dim3A_127 = vector.shape_cast %add3A_116 : vector<256x1xi32> to vector<256x1xi32>
      %broadcast_in_dim3A_128 = vector.broadcast %broadcast_in_dim3A_127 : vector<256x1xi32> to vector<256x32xi32>
      %select_n3A_129 = arith.select %and3A_126, %broadcast_in_dim3A_128, %select_n3A_104 : vector<256x32xi1>, vector<256x32xi32>
      %eq3A_130 = arith.constant 3.000000e+00 : f32
      %eq3A_131 = vector.broadcast %eq3A_130 : f32 to vector<256x256xf32>
      %eq3A_132 = arith.cmpf oeq, %select_n3A, %eq3A_131 : vector<256x256xf32>
      %convert_element_type3A_133 = arith.extui %eq3A_132 : vector<256x256xi1> to vector<256x256xi32>
      %convert_element_type3A_134 = arith.sitofp %convert_element_type3A_133 : vector<256x256xi32> to vector<256x256xf32>
      %dot_general3A_135 = arith.constant dense<0.000000e+00> : vector<256x1xf32>
      %dot_general3A_136 = tpu.matmul %convert_element_type3A_134, %convert_element_type3A_16, %dot_general3A_135 {dimension_numbers = #tpu.dot_dimension_numbers<[1], [0], [0], [1], [0, 0, 1, 1], [], []>, transpose_lhs_hint = false} : vector<256x256xf32>, vector<256x1xf32>, vector<256x1xf32> -> vector<256x1xf32>
      %mul3A_137 = arith.constant 256 : i32
      %mul3A_138 = arith.muli %scan3A_37, %mul3A_137 : i32
      %convert_element_type3A_139 = arith.fptosi %dot_general3A_136 : vector<256x1xf32> to vector<256x1xi32>
      %add3A_140 = vector.broadcast %mul3A_138 : i32 to vector<256x1xi32>
      %add3A_141 = arith.addi %add3A_140, %convert_element_type3A_139 : vector<256x1xi32>
      %add3A_142 = arith.constant 2 : i32
      %add3A_143 = vector.broadcast %add3A_142 : i32 to vector<256x1xi32>
      %add3A_144 = arith.addi %scan3A_38, %add3A_143 : vector<256x1xi32>
      %eq3A_145 = vector.broadcast %add3A_144 : vector<256x1xi32> to vector<256x32xi32>
      %eq3A_146 = arith.cmpi eq, %iota3A_10, %eq3A_145 : vector<256x32xi32>
      %gt3A_147 = arith.constant 2 : i32
      %gt3A_148 = vector.broadcast %gt3A_147 : i32 to vector<256x1xi32>
      %gt3A_149 = arith.cmpi sgt, %convert_element_type3A_80, %gt3A_148 : vector<256x1xi32>
      %and3A_150 = vector.broadcast %gt3A_149 : vector<256x1xi1> to vector<256x32xi1>
      %and3A_151 = arith.andi %eq3A_146, %and3A_150 : vector<256x32xi1>
      %broadcast_in_dim3A_152 = vector.shape_cast %add3A_141 : vector<256x1xi32> to vector<256x1xi32>
      %broadcast_in_dim3A_153 = vector.broadcast %broadcast_in_dim3A_152 : vector<256x1xi32> to vector<256x32xi32>
      %select_n3A_154 = arith.select %and3A_151, %broadcast_in_dim3A_153, %select_n3A_129 : vector<256x32xi1>, vector<256x32xi32>
      %eq3A_155 = arith.constant 4.000000e+00 : f32
      %eq3A_156 = vector.broadcast %eq3A_155 : f32 to vector<256x256xf32>
      %eq3A_157 = arith.cmpf oeq, %select_n3A, %eq3A_156 : vector<256x256xf32>
      %convert_element_type3A_158 = arith.extui %eq3A_157 : vector<256x256xi1> to vector<256x256xi32>
      %convert_element_type3A_159 = arith.sitofp %convert_element_type3A_158 : vector<256x256xi32> to vector<256x256xf32>
      %dot_general3A_160 = arith.constant dense<0.000000e+00> : vector<256x1xf32>
      %dot_general3A_161 = tpu.matmul %convert_element_type3A_159, %convert_element_type3A_16, %dot_general3A_160 {dimension_numbers = #tpu.dot_dimension_numbers<[1], [0], [0], [1], [0, 0, 1, 1], [], []>, transpose_lhs_hint = false} : vector<256x256xf32>, vector<256x1xf32>, vector<256x1xf32> -> vector<256x1xf32>
      %mul3A_162 = arith.constant 256 : i32
      %mul3A_163 = arith.muli %scan3A_37, %mul3A_162 : i32
      %convert_element_type3A_164 = arith.fptosi %dot_general3A_161 : vector<256x1xf32> to vector<256x1xi32>
      %add3A_165 = vector.broadcast %mul3A_163 : i32 to vector<256x1xi32>
      %add3A_166 = arith.addi %add3A_165, %convert_element_type3A_164 : vector<256x1xi32>
      %add3A_167 = arith.constant 3 : i32
      %add3A_168 = vector.broadcast %add3A_167 : i32 to vector<256x1xi32>
      %add3A_169 = arith.addi %scan3A_38, %add3A_168 : vector<256x1xi32>
      %eq3A_170 = vector.broadcast %add3A_169 : vector<256x1xi32> to vector<256x32xi32>
      %eq3A_171 = arith.cmpi eq, %iota3A_10, %eq3A_170 : vector<256x32xi32>
      %gt3A_172 = arith.constant 3 : i32
      %gt3A_173 = vector.broadcast %gt3A_172 : i32 to vector<256x1xi32>
      %gt3A_174 = arith.cmpi sgt, %convert_element_type3A_80, %gt3A_173 : vector<256x1xi32>
      %and3A_175 = vector.broadcast %gt3A_174 : vector<256x1xi1> to vector<256x32xi1>
      %and3A_176 = arith.andi %eq3A_171, %and3A_175 : vector<256x32xi1>
      %broadcast_in_dim3A_177 = vector.shape_cast %add3A_166 : vector<256x1xi32> to vector<256x1xi32>
      %broadcast_in_dim3A_178 = vector.broadcast %broadcast_in_dim3A_177 : vector<256x1xi32> to vector<256x32xi32>
      %select_n3A_179 = arith.select %and3A_176, %broadcast_in_dim3A_178, %select_n3A_154 : vector<256x32xi1>, vector<256x32xi32>
      %eq3A_180 = arith.constant 5.000000e+00 : f32
      %eq3A_181 = vector.broadcast %eq3A_180 : f32 to vector<256x256xf32>
      %eq3A_182 = arith.cmpf oeq, %select_n3A, %eq3A_181 : vector<256x256xf32>
      %convert_element_type3A_183 = arith.extui %eq3A_182 : vector<256x256xi1> to vector<256x256xi32>
      %convert_element_type3A_184 = arith.sitofp %convert_element_type3A_183 : vector<256x256xi32> to vector<256x256xf32>
      %dot_general3A_185 = arith.constant dense<0.000000e+00> : vector<256x1xf32>
      %dot_general3A_186 = tpu.matmul %convert_element_type3A_184, %convert_element_type3A_16, %dot_general3A_185 {dimension_numbers = #tpu.dot_dimension_numbers<[1], [0], [0], [1], [0, 0, 1, 1], [], []>, transpose_lhs_hint = false} : vector<256x256xf32>, vector<256x1xf32>, vector<256x1xf32> -> vector<256x1xf32>
      %mul3A_187 = arith.constant 256 : i32
      %mul3A_188 = arith.muli %scan3A_37, %mul3A_187 : i32
      %convert_element_type3A_189 = arith.fptosi %dot_general3A_186 : vector<256x1xf32> to vector<256x1xi32>
      %add3A_190 = vector.broadcast %mul3A_188 : i32 to vector<256x1xi32>
      %add3A_191 = arith.addi %add3A_190, %convert_element_type3A_189 : vector<256x1xi32>
      %add3A_192 = arith.constant 4 : i32
      %add3A_193 = vector.broadcast %add3A_192 : i32 to vector<256x1xi32>
      %add3A_194 = arith.addi %scan3A_38, %add3A_193 : vector<256x1xi32>
      %eq3A_195 = vector.broadcast %add3A_194 : vector<256x1xi32> to vector<256x32xi32>
      %eq3A_196 = arith.cmpi eq, %iota3A_10, %eq3A_195 : vector<256x32xi32>
      %gt3A_197 = arith.constant 4 : i32
      %gt3A_198 = vector.broadcast %gt3A_197 : i32 to vector<256x1xi32>
      %gt3A_199 = arith.cmpi sgt, %convert_element_type3A_80, %gt3A_198 : vector<256x1xi32>
      %and3A_200 = vector.broadcast %gt3A_199 : vector<256x1xi1> to vector<256x32xi1>
      %and3A_201 = arith.andi %eq3A_196, %and3A_200 : vector<256x32xi1>
      %broadcast_in_dim3A_202 = vector.shape_cast %add3A_191 : vector<256x1xi32> to vector<256x1xi32>
      %broadcast_in_dim3A_203 = vector.broadcast %broadcast_in_dim3A_202 : vector<256x1xi32> to vector<256x32xi32>
      %select_n3A_204 = arith.select %and3A_201, %broadcast_in_dim3A_203, %select_n3A_179 : vector<256x32xi1>, vector<256x32xi32>
      %eq3A_205 = arith.constant 6.000000e+00 : f32
      %eq3A_206 = vector.broadcast %eq3A_205 : f32 to vector<256x256xf32>
      %eq3A_207 = arith.cmpf oeq, %select_n3A, %eq3A_206 : vector<256x256xf32>
      %convert_element_type3A_208 = arith.extui %eq3A_207 : vector<256x256xi1> to vector<256x256xi32>
      %convert_element_type3A_209 = arith.sitofp %convert_element_type3A_208 : vector<256x256xi32> to vector<256x256xf32>
      %dot_general3A_210 = arith.constant dense<0.000000e+00> : vector<256x1xf32>
      %dot_general3A_211 = tpu.matmul %convert_element_type3A_209, %convert_element_type3A_16, %dot_general3A_210 {dimension_numbers = #tpu.dot_dimension_numbers<[1], [0], [0], [1], [0, 0, 1, 1], [], []>, transpose_lhs_hint = false} : vector<256x256xf32>, vector<256x1xf32>, vector<256x1xf32> -> vector<256x1xf32>
      %mul3A_212 = arith.constant 256 : i32
      %mul3A_213 = arith.muli %scan3A_37, %mul3A_212 : i32
      %convert_element_type3A_214 = arith.fptosi %dot_general3A_211 : vector<256x1xf32> to vector<256x1xi32>
      %add3A_215 = vector.broadcast %mul3A_213 : i32 to vector<256x1xi32>
      %add3A_216 = arith.addi %add3A_215, %convert_element_type3A_214 : vector<256x1xi32>
      %add3A_217 = arith.constant 5 : i32
      %add3A_218 = vector.broadcast %add3A_217 : i32 to vector<256x1xi32>
      %add3A_219 = arith.addi %scan3A_38, %add3A_218 : vector<256x1xi32>
      %eq3A_220 = vector.broadcast %add3A_219 : vector<256x1xi32> to vector<256x32xi32>
      %eq3A_221 = arith.cmpi eq, %iota3A_10, %eq3A_220 : vector<256x32xi32>
      %gt3A_222 = arith.constant 5 : i32
      %gt3A_223 = vector.broadcast %gt3A_222 : i32 to vector<256x1xi32>
      %gt3A_224 = arith.cmpi sgt, %convert_element_type3A_80, %gt3A_223 : vector<256x1xi32>
      %and3A_225 = vector.broadcast %gt3A_224 : vector<256x1xi1> to vector<256x32xi1>
      %and3A_226 = arith.andi %eq3A_221, %and3A_225 : vector<256x32xi1>
      %broadcast_in_dim3A_227 = vector.shape_cast %add3A_216 : vector<256x1xi32> to vector<256x1xi32>
      %broadcast_in_dim3A_228 = vector.broadcast %broadcast_in_dim3A_227 : vector<256x1xi32> to vector<256x32xi32>
      %select_n3A_229 = arith.select %and3A_226, %broadcast_in_dim3A_228, %select_n3A_204 : vector<256x32xi1>, vector<256x32xi32>
      %eq3A_230 = arith.constant 7.000000e+00 : f32
      %eq3A_231 = vector.broadcast %eq3A_230 : f32 to vector<256x256xf32>
      %eq3A_232 = arith.cmpf oeq, %select_n3A, %eq3A_231 : vector<256x256xf32>
      %convert_element_type3A_233 = arith.extui %eq3A_232 : vector<256x256xi1> to vector<256x256xi32>
      %convert_element_type3A_234 = arith.sitofp %convert_element_type3A_233 : vector<256x256xi32> to vector<256x256xf32>
      %dot_general3A_235 = arith.constant dense<0.000000e+00> : vector<256x1xf32>
      %dot_general3A_236 = tpu.matmul %convert_element_type3A_234, %convert_element_type3A_16, %dot_general3A_235 {dimension_numbers = #tpu.dot_dimension_numbers<[1], [0], [0], [1], [0, 0, 1, 1], [], []>, transpose_lhs_hint = false} : vector<256x256xf32>, vector<256x1xf32>, vector<256x1xf32> -> vector<256x1xf32>
      %mul3A_237 = arith.constant 256 : i32
      %mul3A_238 = arith.muli %scan3A_37, %mul3A_237 : i32
      %convert_element_type3A_239 = arith.fptosi %dot_general3A_236 : vector<256x1xf32> to vector<256x1xi32>
      %add3A_240 = vector.broadcast %mul3A_238 : i32 to vector<256x1xi32>
      %add3A_241 = arith.addi %add3A_240, %convert_element_type3A_239 : vector<256x1xi32>
      %add3A_242 = arith.constant 6 : i32
      %add3A_243 = vector.broadcast %add3A_242 : i32 to vector<256x1xi32>
      %add3A_244 = arith.addi %scan3A_38, %add3A_243 : vector<256x1xi32>
      %eq3A_245 = vector.broadcast %add3A_244 : vector<256x1xi32> to vector<256x32xi32>
      %eq3A_246 = arith.cmpi eq, %iota3A_10, %eq3A_245 : vector<256x32xi32>
      %gt3A_247 = arith.constant 6 : i32
      %gt3A_248 = vector.broadcast %gt3A_247 : i32 to vector<256x1xi32>
      %gt3A_249 = arith.cmpi sgt, %convert_element_type3A_80, %gt3A_248 : vector<256x1xi32>
      %and3A_250 = vector.broadcast %gt3A_249 : vector<256x1xi1> to vector<256x32xi1>
      %and3A_251 = arith.andi %eq3A_246, %and3A_250 : vector<256x32xi1>
      %broadcast_in_dim3A_252 = vector.shape_cast %add3A_241 : vector<256x1xi32> to vector<256x1xi32>
      %broadcast_in_dim3A_253 = vector.broadcast %broadcast_in_dim3A_252 : vector<256x1xi32> to vector<256x32xi32>
      %select_n3A_254 = arith.select %and3A_251, %broadcast_in_dim3A_253, %select_n3A_229 : vector<256x32xi1>, vector<256x32xi32>
      %eq3A_255 = arith.constant 8.000000e+00 : f32
      %eq3A_256 = vector.broadcast %eq3A_255 : f32 to vector<256x256xf32>
      %eq3A_257 = arith.cmpf oeq, %select_n3A, %eq3A_256 : vector<256x256xf32>
      %convert_element_type3A_258 = arith.extui %eq3A_257 : vector<256x256xi1> to vector<256x256xi32>
      %convert_element_type3A_259 = arith.sitofp %convert_element_type3A_258 : vector<256x256xi32> to vector<256x256xf32>
      %dot_general3A_260 = arith.constant dense<0.000000e+00> : vector<256x1xf32>
      %dot_general3A_261 = tpu.matmul %convert_element_type3A_259, %convert_element_type3A_16, %dot_general3A_260 {dimension_numbers = #tpu.dot_dimension_numbers<[1], [0], [0], [1], [0, 0, 1, 1], [], []>, transpose_lhs_hint = false} : vector<256x256xf32>, vector<256x1xf32>, vector<256x1xf32> -> vector<256x1xf32>
      %mul3A_262 = arith.constant 256 : i32
      %mul3A_263 = arith.muli %scan3A_37, %mul3A_262 : i32
      %convert_element_type3A_264 = arith.fptosi %dot_general3A_261 : vector<256x1xf32> to vector<256x1xi32>
      %add3A_265 = vector.broadcast %mul3A_263 : i32 to vector<256x1xi32>
      %add3A_266 = arith.addi %add3A_265, %convert_element_type3A_264 : vector<256x1xi32>
      %add3A_267 = arith.constant 7 : i32
      %add3A_268 = vector.broadcast %add3A_267 : i32 to vector<256x1xi32>
      %add3A_269 = arith.addi %scan3A_38, %add3A_268 : vector<256x1xi32>
      %eq3A_270 = vector.broadcast %add3A_269 : vector<256x1xi32> to vector<256x32xi32>
      %eq3A_271 = arith.cmpi eq, %iota3A_10, %eq3A_270 : vector<256x32xi32>
      %gt3A_272 = arith.constant 7 : i32
      %gt3A_273 = vector.broadcast %gt3A_272 : i32 to vector<256x1xi32>
      %gt3A_274 = arith.cmpi sgt, %convert_element_type3A_80, %gt3A_273 : vector<256x1xi32>
      %and3A_275 = vector.broadcast %gt3A_274 : vector<256x1xi1> to vector<256x32xi1>
      %and3A_276 = arith.andi %eq3A_271, %and3A_275 : vector<256x32xi1>
      %broadcast_in_dim3A_277 = vector.shape_cast %add3A_266 : vector<256x1xi32> to vector<256x1xi32>
      %broadcast_in_dim3A_278 = vector.broadcast %broadcast_in_dim3A_277 : vector<256x1xi32> to vector<256x32xi32>
      %select_n3A_279 = arith.select %and3A_276, %broadcast_in_dim3A_278, %select_n3A_254 : vector<256x32xi1>, vector<256x32xi32>
      %add3A_280 = arith.addi %scan3A_38, %convert_element_type3A_80 : vector<256x1xi32>
      scf.yield %add3A_280, %select_n3A_279 : vector<256x1xi32>, vector<256x32xi32>
    }
    %scan3A_29 = arith.constant 40 : i32
    %swap3A = arith.constant 0 : index
    %swap3A_30 = arith.constant 0 : index
    %swap3A_31 = vector.load %arg3[%swap3A, %swap3A_30] : memref<256x32xi32, #tpu.memory_space<vmem>>, vector<256x32xi32>
    tpu.vector_store %arg3[%swap3A, %swap3A_30], %scan3A_28#1 {strides = array<i32>} : memref<256x32xi32, #tpu.memory_space<vmem>>, vector<256x32xi32>,
    %min3A = arith.constant 32 : i32
    %min3A_32 = vector.broadcast %min3A : i32 to vector<256x1xi32>
    %min3A_33 = arith.minsi %scan3A_28#0, %min3A_32 : vector<256x1xi32>
    %swap3A_34 = arith.constant 0 : index
    %swap3A_35 = arith.constant 0 : index
    %swap3A_36 = vector.load %arg4[%swap3A_34, %swap3A_35] : memref<256x1xi32, #tpu.memory_space<vmem>>, vector<256x1xi32>
    tpu.vector_store %arg4[%swap3A_34, %swap3A_35], %min3A_33 {strides = array<i32>} : memref<256x1xi32, #tpu.memory_space<vmem>>, vector<256x1xi32>,
    return
  }
  func.func @transform_0(%arg0: i32) -> (i32, i32) {
    %c0_i32 = arith.constant 0 : i32
    %c0_i32_0 = arith.constant 0 : i32
    return %arg0, %c0_i32 : i32, i32
  }
  func.func @transform_1(%arg0: i32) -> (i32, i32, i32) {
    %c0_i32 = arith.constant 0 : i32
    %c0_i32_0 = arith.constant 0 : i32
    %c0_i32_1 = arith.constant 0 : i32
    %c0_i32_2 = arith.constant 0 : i32
    return %c0_i32, %c0_i32_0, %c0_i32_1 : i32, i32, i32
  }
  func.func @transform_2(%arg0: i32) -> (i32, i32) {
    %c0_i32 = arith.constant 0 : i32
    %c0_i32_0 = arith.constant 0 : i32
    return %arg0, %c0_i32 : i32, i32
  }
  func.func @transform_3(%arg0: i32) -> (i32, i32) {
    %c0_i32 = arith.constant 0 : i32
    %c0_i32_0 = arith.constant 0 : i32
    return %arg0, %c0_i32 : i32, i32
  }
}

module attributes {stable_mosaic.version = 14 : i64} {
  func.func @_math_kernel(%arg0: i32, %arg1: memref<80x32x256xf32, #tpu.memory_space<vmem>>, %arg2: memref<80x3xf32, #tpu.memory_space<vmem>>, %arg3: memref<80x1xi32, #tpu.memory_space<vmem>>, %arg4: memref<64x128x128xf32, #tpu.memory_space<vmem>>, %arg5: memref<1x128xf32, #tpu.memory_space<vmem>>, %arg6: memref<80x128xf32, #tpu.memory_space<vmem>>, %arg7: memref<128x128xf32, #tpu.memory_space<vmem>>, %arg8: memref<1x128xf32, #tpu.memory_space<vmem>>, %arg9: memref<80x128xf32, #tpu.memory_space<vmem>>, %arg10: memref<80x128xf32, #tpu.memory_space<vmem>>) attributes {dimension_semantics = [#tpu.dimension_semantics<arbitrary>], iteration_bounds = array<i64: 125>, scalar_prefetch = 0 : i64, scratch_operands = 0 : i64, tpu.core_type = #tpu.core_type<tc>, window_params = [{transform_indices = @transform_0, window_bounds = array<i64: 80, 32, 256>}, {transform_indices = @transform_1, window_bounds = array<i64: 80, 3>}, {transform_indices = @transform_2, window_bounds = array<i64: 80, 1>}, {pipeline_mode = #tpu.pipeline_mode<synchronous>, transform_indices = @transform_3, window_bounds = array<i64: 64, 128, 128>}, {pipeline_mode = #tpu.pipeline_mode<synchronous>, transform_indices = @transform_4, window_bounds = array<i64: 1, 128>}, {transform_indices = @transform_5, window_bounds = array<i64: 80, 128>}, {pipeline_mode = #tpu.pipeline_mode<synchronous>, transform_indices = @transform_6, window_bounds = array<i64: 128, 128>}, {pipeline_mode = #tpu.pipeline_mode<synchronous>, transform_indices = @transform_7, window_bounds = array<i64: 1, 128>}, {transform_indices = @transform_8, window_bounds = array<i64: 80, 128>}, {transform_indices = @transform_9, window_bounds = array<i64: 80, 128>}]} {
    %iota3A = tpu.iota {dimensions = array<i32: 1>} : vector<80x32x1xi32>
    %get3A = arith.constant 0 : index
    %get3A_0 = arith.constant 0 : index
    %get3A_1 = vector.load %arg3[%get3A, %get3A_0] : memref<80x1xi32, #tpu.memory_space<vmem>>, vector<80x1xi32>
    %broadcast_in_dim3A = vector.shape_cast %get3A_1 : vector<80x1xi32> to vector<80x1x1xi32>
    %lt3A = vector.broadcast %broadcast_in_dim3A : vector<80x1x1xi32> to vector<80x32x1xi32>
    %lt3A_2 = arith.cmpi slt, %iota3A, %lt3A : vector<80x32x1xi32>
    %convert_element_type3A = arith.extui %lt3A_2 : vector<80x32x1xi1> to vector<80x32x1xi32>
    %convert_element_type3A_3 = arith.sitofp %convert_element_type3A : vector<80x32x1xi32> to vector<80x32x1xf32>
    %get3A_4 = arith.constant 0 : index
    %get3A_5 = arith.constant 0 : index
    %get3A_6 = arith.constant 0 : index
    %get3A_7 = vector.load %arg1[%get3A_4, %get3A_5, %get3A_6] : memref<80x32x256xf32, #tpu.memory_space<vmem>>, vector<80x32x256xf32>
    %slice3A = vector.extract_strided_slice %get3A_7 {offsets = [0, 0, 0], sizes = [80, 32, 128], strides = [1, 1, 1]} : vector<80x32x256xf32> to vector<80x32x128xf32>
    %mul3A = vector.broadcast %convert_element_type3A_3 : vector<80x32x1xf32> to vector<80x32x128xf32>
    %mul3A_8 = arith.mulf %slice3A, %mul3A : vector<80x32x128xf32>
    %reshape3A = vector.shape_cast %mul3A_8 : vector<80x32x128xf32> to vector<2560x128xf32>
    %reshape3A_9 = vector.shape_cast %get3A_7 : vector<80x32x256xf32> to vector<2560x256xf32>
    %slice3A_10 = vector.extract_strided_slice %reshape3A_9 {offsets = [0, 128], sizes = [2560, 16], strides = [1, 1]} : vector<2560x256xf32> to vector<2560x16xf32>
    %get3A_11 = arith.constant 0 : index
    %get3A_12 = arith.constant 0 : index
    %get3A_13 = vector.load %arg2[%get3A_11, %get3A_12] : memref<80x3xf32, #tpu.memory_space<vmem>>, vector<80x3xf32>
    %broadcast_in_dim3A_14 = vector.shape_cast %get3A_13 : vector<80x3xf32> to vector<80x1x3xf32>
    %broadcast_in_dim3A_15 = vector.shape_cast %broadcast_in_dim3A_14 : vector<80x1x3xf32> to vector<80x1x3xf32>
    %broadcast_in_dim3A_16 = vector.broadcast %broadcast_in_dim3A_15 : vector<80x1x3xf32> to vector<80x32x3xf32>
    %reshape3A_17 = vector.shape_cast %broadcast_in_dim3A_16 : vector<80x32x3xf32> to vector<2560x3xf32>
    %slice3A_18 = vector.extract_strided_slice %slice3A_10 {offsets = [0, 0], sizes = [2560, 3], strides = [1, 1]} : vector<2560x16xf32> to vector<2560x3xf32>
    %sub3A = arith.subf %slice3A_18, %reshape3A_17 : vector<2560x3xf32>
    %div3A = arith.constant 5.000000e-02 : f32
    %div3A_19 = vector.broadcast %div3A : f32 to vector<2560x3xf32>
    %div3A_20 = arith.divf %sub3A, %div3A_19 : vector<2560x3xf32>
    %slice3A_21 = vector.extract_strided_slice %div3A_20 {offsets = [0, 0], sizes = [2560, 1], strides = [1, 1]} : vector<2560x3xf32> to vector<2560x1xf32>
    %slice3A_22 = vector.extract_strided_slice %div3A_20 {offsets = [0, 1], sizes = [2560, 1], strides = [1, 1]} : vector<2560x3xf32> to vector<2560x1xf32>
    %slice3A_23 = vector.extract_strided_slice %div3A_20 {offsets = [0, 2], sizes = [2560, 1], strides = [1, 1]} : vector<2560x3xf32> to vector<2560x1xf32>
    %mul3A_24 = arith.mulf %slice3A_21, %slice3A_21 : vector<2560x1xf32>
    %mul3A_25 = arith.mulf %slice3A_22, %slice3A_22 : vector<2560x1xf32>
    %add3A = arith.addf %mul3A_24, %mul3A_25 : vector<2560x1xf32>
    %mul3A_26 = arith.mulf %slice3A_23, %slice3A_23 : vector<2560x1xf32>
    %add3A_27 = arith.addf %add3A, %mul3A_26 : vector<2560x1xf32>
    %sqrt3A = math.sqrt %add3A_27 : vector<2560x1xf32>
    %abs3A = math.absf %slice3A_21 : vector<2560x1xf32>
    %abs3A_28 = math.absf %slice3A_22 : vector<2560x1xf32>
    %max3A = arith.maximumf %abs3A, %abs3A_28 : vector<2560x1xf32>
    %abs3A_29 = math.absf %slice3A_23 : vector<2560x1xf32>
    %max3A_30 = arith.maximumf %max3A, %abs3A_29 : vector<2560x1xf32>
    %max3A_31 = arith.constant 9.99999993E-9 : f32
    %max3A_32 = vector.broadcast %max3A_31 : f32 to vector<2560x1xf32>
    %max3A_33 = arith.maximumf %max3A_30, %max3A_32 : vector<2560x1xf32>
    %div3A_34 = arith.divf %sqrt3A, %max3A_33 : vector<2560x1xf32>
    %mul3A_35 = vector.broadcast %div3A_34 : vector<2560x1xf32> to vector<2560x3xf32>
    %mul3A_36 = arith.mulf %div3A_20, %mul3A_35 : vector<2560x3xf32>
    %add3A_37 = arith.constant 1.000000e+00 : f32
    %add3A_38 = vector.broadcast %add3A_37 : f32 to vector<2560x3xf32>
    %add3A_39 = arith.addf %mul3A_36, %add3A_38 : vector<2560x3xf32>
    %mul3A_40 = arith.constant 5.000000e-01 : f32
    %mul3A_41 = vector.broadcast %mul3A_40 : f32 to vector<2560x3xf32>
    %mul3A_42 = arith.mulf %add3A_39, %mul3A_41 : vector<2560x3xf32>
    %mul3A_43 = arith.constant 3.000000e+00 : f32
    %mul3A_44 = vector.broadcast %mul3A_43 : f32 to vector<2560x3xf32>
    %mul3A_45 = arith.mulf %mul3A_42, %mul3A_44 : vector<2560x3xf32>
    %jit3A = arith.constant 0.000000e+00 : f32
    %jit3A_46 = arith.constant 3.000000e+00 : f32
    %max3A_47 = vector.broadcast %jit3A : f32 to vector<2560x3xf32>
    %max3A_48 = arith.maximumf %max3A_47, %mul3A_45 : vector<2560x3xf32>
    %min3A = vector.broadcast %jit3A_46 : f32 to vector<2560x3xf32>
    %min3A_49 = arith.minimumf %min3A, %max3A_48 : vector<2560x3xf32>
    %iota3A_50 = tpu.iota {dimensions = array<i32: 1>} : vector<2560x64xi32>
    %rem3A = arith.constant 4 : i32
    %rem3A_51 = vector.broadcast %rem3A : i32 to vector<2560x64xi32>
    %rem3A_52 = arith.remsi %iota3A_50, %rem3A_51 : vector<2560x64xi32>
    %convert_element_type3A_53 = arith.sitofp %rem3A_52 : vector<2560x64xi32> to vector<2560x64xf32>
    %div3A_54 = arith.constant 4 : i32
    %div3A_55 = vector.broadcast %div3A_54 : i32 to vector<2560x64xi32>
    %div3A_56 = arith.divsi %iota3A_50, %div3A_55 : vector<2560x64xi32>
    %rem3A_57 = arith.constant 4 : i32
    %rem3A_58 = vector.broadcast %rem3A_57 : i32 to vector<2560x64xi32>
    %rem3A_59 = arith.remsi %div3A_56, %rem3A_58 : vector<2560x64xi32>
    %convert_element_type3A_60 = arith.sitofp %rem3A_59 : vector<2560x64xi32> to vector<2560x64xf32>
    %div3A_61 = arith.constant 16 : i32
    %div3A_62 = vector.broadcast %div3A_61 : i32 to vector<2560x64xi32>
    %div3A_63 = arith.divsi %iota3A_50, %div3A_62 : vector<2560x64xi32>
    %convert_element_type3A_64 = arith.sitofp %div3A_63 : vector<2560x64xi32> to vector<2560x64xf32>
    %slice3A_65 = vector.extract_strided_slice %min3A_49 {offsets = [0, 0], sizes = [2560, 1], strides = [1, 1]} : vector<2560x3xf32> to vector<2560x1xf32>
    %broadcast_in_dim3A_66 = vector.shape_cast %slice3A_65 : vector<2560x1xf32> to vector<2560x1xf32>
    %broadcast_in_dim3A_67 = vector.broadcast %broadcast_in_dim3A_66 : vector<2560x1xf32> to vector<2560x64xf32>
    %sub3A_68 = arith.subf %broadcast_in_dim3A_67, %convert_element_type3A_53 : vector<2560x64xf32>
    %abs3A_69 = math.absf %sub3A_68 : vector<2560x64xf32>
    %sub3A_70 = arith.constant 1.000000e+00 : f32
    %sub3A_71 = vector.broadcast %sub3A_70 : f32 to vector<2560x64xf32>
    %sub3A_72 = arith.subf %sub3A_71, %abs3A_69 : vector<2560x64xf32>
    %max3A_73 = arith.constant 0.000000e+00 : f32
    %max3A_74 = vector.broadcast %max3A_73 : f32 to vector<2560x64xf32>
    %max3A_75 = arith.maximumf %sub3A_72, %max3A_74 : vector<2560x64xf32>
    %slice3A_76 = vector.extract_strided_slice %min3A_49 {offsets = [0, 1], sizes = [2560, 1], strides = [1, 1]} : vector<2560x3xf32> to vector<2560x1xf32>
    %broadcast_in_dim3A_77 = vector.shape_cast %slice3A_76 : vector<2560x1xf32> to vector<2560x1xf32>
    %broadcast_in_dim3A_78 = vector.broadcast %broadcast_in_dim3A_77 : vector<2560x1xf32> to vector<2560x64xf32>
    %sub3A_79 = arith.subf %broadcast_in_dim3A_78, %convert_element_type3A_60 : vector<2560x64xf32>
    %abs3A_80 = math.absf %sub3A_79 : vector<2560x64xf32>
    %sub3A_81 = arith.constant 1.000000e+00 : f32
    %sub3A_82 = vector.broadcast %sub3A_81 : f32 to vector<2560x64xf32>
    %sub3A_83 = arith.subf %sub3A_82, %abs3A_80 : vector<2560x64xf32>
    %max3A_84 = arith.constant 0.000000e+00 : f32
    %max3A_85 = vector.broadcast %max3A_84 : f32 to vector<2560x64xf32>
    %max3A_86 = arith.maximumf %sub3A_83, %max3A_85 : vector<2560x64xf32>
    %mul3A_87 = arith.mulf %max3A_75, %max3A_86 : vector<2560x64xf32>
    %slice3A_88 = vector.extract_strided_slice %min3A_49 {offsets = [0, 2], sizes = [2560, 1], strides = [1, 1]} : vector<2560x3xf32> to vector<2560x1xf32>
    %broadcast_in_dim3A_89 = vector.shape_cast %slice3A_88 : vector<2560x1xf32> to vector<2560x1xf32>
    %broadcast_in_dim3A_90 = vector.broadcast %broadcast_in_dim3A_89 : vector<2560x1xf32> to vector<2560x64xf32>
    %sub3A_91 = arith.subf %broadcast_in_dim3A_90, %convert_element_type3A_64 : vector<2560x64xf32>
    %abs3A_92 = math.absf %sub3A_91 : vector<2560x64xf32>
    %sub3A_93 = arith.constant 1.000000e+00 : f32
    %sub3A_94 = vector.broadcast %sub3A_93 : f32 to vector<2560x64xf32>
    %sub3A_95 = arith.subf %sub3A_94, %abs3A_92 : vector<2560x64xf32>
    %max3A_96 = arith.constant 0.000000e+00 : f32
    %max3A_97 = vector.broadcast %max3A_96 : f32 to vector<2560x64xf32>
    %max3A_98 = arith.maximumf %sub3A_95, %max3A_97 : vector<2560x64xf32>
    %mul3A_99 = arith.mulf %mul3A_87, %max3A_98 : vector<2560x64xf32>
    %reshape3A_100 = vector.shape_cast %mul3A_99 : vector<2560x64xf32> to vector<80x32x64xf32>
    %reshape3A_101 = vector.shape_cast %reshape3A : vector<2560x128xf32> to vector<80x32x128xf32>
    %dot_general3A = arith.constant dense<0.000000e+00> : vector<80x64x128xf32>
    %dot_general3A_102 = tpu.matmul %reshape3A_100, %reshape3A_101, %dot_general3A {dimension_numbers = #tpu.dot_dimension_numbers<[1], [1], [2], [2], [0, 0, 0, 2, 1, 2], [0], [0]>, transpose_lhs_hint = false} : vector<80x32x64xf32>, vector<80x32x128xf32>, vector<80x64x128xf32> -> vector<80x64x128xf32>
    %broadcast_in_dim3A_103 = arith.constant 0.000000e+00 : f32
    %broadcast_in_dim3A_104 = vector.broadcast %broadcast_in_dim3A_103 : f32 to vector<80x128xf32>
    %slice3A_105 = vector.extract_strided_slice %dot_general3A_102 {offsets = [0, 0, 0], sizes = [80, 1, 128], strides = [1, 1, 1]} : vector<80x64x128xf32> to vector<80x1x128xf32>
    %squeeze3A = vector.shape_cast %slice3A_105 : vector<80x1x128xf32> to vector<80x128xf32>
    %get3A_106 = arith.constant 0 : index
    %get3A_107 = arith.constant 0 : index
    %get3A_108 = arith.constant 0 : index
    %get3A_109 = vector.load %arg4[%get3A_106, %get3A_107, %get3A_108] : memref<64x128x128xf32, #tpu.memory_space<vmem>>, vector<1x128x128xf32>
    %get3A_110 = vector.shape_cast %get3A_109 : vector<1x128x128xf32> to vector<128x128xf32>
    %dot_general3A_111 = arith.constant dense<0.000000e+00> : vector<80x128xf32>
    %dot_general3A_112 = tpu.matmul %squeeze3A, %get3A_110, %dot_general3A_111 {dimension_numbers = #tpu.dot_dimension_numbers<[1], [0], [0], [1], [0, 0, 1, 1], [], []>, transpose_lhs_hint = false} : vector<80x128xf32>, vector<128x128xf32>, vector<80x128xf32> -> vector<80x128xf32>
    %add3A_113 = arith.addf %broadcast_in_dim3A_104, %dot_general3A_112 : vector<80x128xf32>
    %slice3A_114 = vector.extract_strided_slice %dot_general3A_102 {offsets = [0, 1, 0], sizes = [80, 1, 128], strides = [1, 1, 1]} : vector<80x64x128xf32> to vector<80x1x128xf32>
    %squeeze3A_115 = vector.shape_cast %slice3A_114 : vector<80x1x128xf32> to vector<80x128xf32>
    %get3A_116 = arith.constant 1 : index
    %get3A_117 = arith.constant 0 : index
    %get3A_118 = arith.constant 0 : index
    %get3A_119 = vector.load %arg4[%get3A_116, %get3A_117, %get3A_118] : memref<64x128x128xf32, #tpu.memory_space<vmem>>, vector<1x128x128xf32>
    %get3A_120 = vector.shape_cast %get3A_119 : vector<1x128x128xf32> to vector<128x128xf32>
    %dot_general3A_121 = arith.constant dense<0.000000e+00> : vector<80x128xf32>
    %dot_general3A_122 = tpu.matmul %squeeze3A_115, %get3A_120, %dot_general3A_121 {dimension_numbers = #tpu.dot_dimension_numbers<[1], [0], [0], [1], [0, 0, 1, 1], [], []>, transpose_lhs_hint = false} : vector<80x128xf32>, vector<128x128xf32>, vector<80x128xf32> -> vector<80x128xf32>
    %add3A_123 = arith.addf %add3A_113, %dot_general3A_122 : vector<80x128xf32>
    %slice3A_124 = vector.extract_strided_slice %dot_general3A_102 {offsets = [0, 2, 0], sizes = [80, 1, 128], strides = [1, 1, 1]} : vector<80x64x128xf32> to vector<80x1x128xf32>
    %squeeze3A_125 = vector.shape_cast %slice3A_124 : vector<80x1x128xf32> to vector<80x128xf32>
    %get3A_126 = arith.constant 2 : index
    %get3A_127 = arith.constant 0 : index
    %get3A_128 = arith.constant 0 : index
    %get3A_129 = vector.load %arg4[%get3A_126, %get3A_127, %get3A_128] : memref<64x128x128xf32, #tpu.memory_space<vmem>>, vector<1x128x128xf32>
    %get3A_130 = vector.shape_cast %get3A_129 : vector<1x128x128xf32> to vector<128x128xf32>
    %dot_general3A_131 = arith.constant dense<0.000000e+00> : vector<80x128xf32>
    %dot_general3A_132 = tpu.matmul %squeeze3A_125, %get3A_130, %dot_general3A_131 {dimension_numbers = #tpu.dot_dimension_numbers<[1], [0], [0], [1], [0, 0, 1, 1], [], []>, transpose_lhs_hint = false} : vector<80x128xf32>, vector<128x128xf32>, vector<80x128xf32> -> vector<80x128xf32>
    %add3A_133 = arith.addf %add3A_123, %dot_general3A_132 : vector<80x128xf32>
    %slice3A_134 = vector.extract_strided_slice %dot_general3A_102 {offsets = [0, 3, 0], sizes = [80, 1, 128], strides = [1, 1, 1]} : vector<80x64x128xf32> to vector<80x1x128xf32>
    %squeeze3A_135 = vector.shape_cast %slice3A_134 : vector<80x1x128xf32> to vector<80x128xf32>
    %get3A_136 = arith.constant 3 : index
    %get3A_137 = arith.constant 0 : index
    %get3A_138 = arith.constant 0 : index
    %get3A_139 = vector.load %arg4[%get3A_136, %get3A_137, %get3A_138] : memref<64x128x128xf32, #tpu.memory_space<vmem>>, vector<1x128x128xf32>
    %get3A_140 = vector.shape_cast %get3A_139 : vector<1x128x128xf32> to vector<128x128xf32>
    %dot_general3A_141 = arith.constant dense<0.000000e+00> : vector<80x128xf32>
    %dot_general3A_142 = tpu.matmul %squeeze3A_135, %get3A_140, %dot_general3A_141 {dimension_numbers = #tpu.dot_dimension_numbers<[1], [0], [0], [1], [0, 0, 1, 1], [], []>, transpose_lhs_hint = false} : vector<80x128xf32>, vector<128x128xf32>, vector<80x128xf32> -> vector<80x128xf32>
    %add3A_143 = arith.addf %add3A_133, %dot_general3A_142 : vector<80x128xf32>
    %slice3A_144 = vector.extract_strided_slice %dot_general3A_102 {offsets = [0, 4, 0], sizes = [80, 1, 128], strides = [1, 1, 1]} : vector<80x64x128xf32> to vector<80x1x128xf32>
    %squeeze3A_145 = vector.shape_cast %slice3A_144 : vector<80x1x128xf32> to vector<80x128xf32>
    %get3A_146 = arith.constant 4 : index
    %get3A_147 = arith.constant 0 : index
    %get3A_148 = arith.constant 0 : index
    %get3A_149 = vector.load %arg4[%get3A_146, %get3A_147, %get3A_148] : memref<64x128x128xf32, #tpu.memory_space<vmem>>, vector<1x128x128xf32>
    %get3A_150 = vector.shape_cast %get3A_149 : vector<1x128x128xf32> to vector<128x128xf32>
    %dot_general3A_151 = arith.constant dense<0.000000e+00> : vector<80x128xf32>
    %dot_general3A_152 = tpu.matmul %squeeze3A_145, %get3A_150, %dot_general3A_151 {dimension_numbers = #tpu.dot_dimension_numbers<[1], [0], [0], [1], [0, 0, 1, 1], [], []>, transpose_lhs_hint = false} : vector<80x128xf32>, vector<128x128xf32>, vector<80x128xf32> -> vector<80x128xf32>
    %add3A_153 = arith.addf %add3A_143, %dot_general3A_152 : vector<80x128xf32>
    %slice3A_154 = vector.extract_strided_slice %dot_general3A_102 {offsets = [0, 5, 0], sizes = [80, 1, 128], strides = [1, 1, 1]} : vector<80x64x128xf32> to vector<80x1x128xf32>
    %squeeze3A_155 = vector.shape_cast %slice3A_154 : vector<80x1x128xf32> to vector<80x128xf32>
    %get3A_156 = arith.constant 5 : index
    %get3A_157 = arith.constant 0 : index
    %get3A_158 = arith.constant 0 : index
    %get3A_159 = vector.load %arg4[%get3A_156, %get3A_157, %get3A_158] : memref<64x128x128xf32, #tpu.memory_space<vmem>>, vector<1x128x128xf32>
    %get3A_160 = vector.shape_cast %get3A_159 : vector<1x128x128xf32> to vector<128x128xf32>
    %dot_general3A_161 = arith.constant dense<0.000000e+00> : vector<80x128xf32>
    %dot_general3A_162 = tpu.matmul %squeeze3A_155, %get3A_160, %dot_general3A_161 {dimension_numbers = #tpu.dot_dimension_numbers<[1], [0], [0], [1], [0, 0, 1, 1], [], []>, transpose_lhs_hint = false} : vector<80x128xf32>, vector<128x128xf32>, vector<80x128xf32> -> vector<80x128xf32>
    %add3A_163 = arith.addf %add3A_153, %dot_general3A_162 : vector<80x128xf32>
    %slice3A_164 = vector.extract_strided_slice %dot_general3A_102 {offsets = [0, 6, 0], sizes = [80, 1, 128], strides = [1, 1, 1]} : vector<80x64x128xf32> to vector<80x1x128xf32>
    %squeeze3A_165 = vector.shape_cast %slice3A_164 : vector<80x1x128xf32> to vector<80x128xf32>
    %get3A_166 = arith.constant 6 : index
    %get3A_167 = arith.constant 0 : index
    %get3A_168 = arith.constant 0 : index
    %get3A_169 = vector.load %arg4[%get3A_166, %get3A_167, %get3A_168] : memref<64x128x128xf32, #tpu.memory_space<vmem>>, vector<1x128x128xf32>
    %get3A_170 = vector.shape_cast %get3A_169 : vector<1x128x128xf32> to vector<128x128xf32>
    %dot_general3A_171 = arith.constant dense<0.000000e+00> : vector<80x128xf32>
    %dot_general3A_172 = tpu.matmul %squeeze3A_165, %get3A_170, %dot_general3A_171 {dimension_numbers = #tpu.dot_dimension_numbers<[1], [0], [0], [1], [0, 0, 1, 1], [], []>, transpose_lhs_hint = false} : vector<80x128xf32>, vector<128x128xf32>, vector<80x128xf32> -> vector<80x128xf32>
    %add3A_173 = arith.addf %add3A_163, %dot_general3A_172 : vector<80x128xf32>
    %slice3A_174 = vector.extract_strided_slice %dot_general3A_102 {offsets = [0, 7, 0], sizes = [80, 1, 128], strides = [1, 1, 1]} : vector<80x64x128xf32> to vector<80x1x128xf32>
    %squeeze3A_175 = vector.shape_cast %slice3A_174 : vector<80x1x128xf32> to vector<80x128xf32>
    %get3A_176 = arith.constant 7 : index
    %get3A_177 = arith.constant 0 : index
    %get3A_178 = arith.constant 0 : index
    %get3A_179 = vector.load %arg4[%get3A_176, %get3A_177, %get3A_178] : memref<64x128x128xf32, #tpu.memory_space<vmem>>, vector<1x128x128xf32>
    %get3A_180 = vector.shape_cast %get3A_179 : vector<1x128x128xf32> to vector<128x128xf32>
    %dot_general3A_181 = arith.constant dense<0.000000e+00> : vector<80x128xf32>
    %dot_general3A_182 = tpu.matmul %squeeze3A_175, %get3A_180, %dot_general3A_181 {dimension_numbers = #tpu.dot_dimension_numbers<[1], [0], [0], [1], [0, 0, 1, 1], [], []>, transpose_lhs_hint = false} : vector<80x128xf32>, vector<128x128xf32>, vector<80x128xf32> -> vector<80x128xf32>
    %add3A_183 = arith.addf %add3A_173, %dot_general3A_182 : vector<80x128xf32>
    %slice3A_184 = vector.extract_strided_slice %dot_general3A_102 {offsets = [0, 8, 0], sizes = [80, 1, 128], strides = [1, 1, 1]} : vector<80x64x128xf32> to vector<80x1x128xf32>
    %squeeze3A_185 = vector.shape_cast %slice3A_184 : vector<80x1x128xf32> to vector<80x128xf32>
    %get3A_186 = arith.constant 8 : index
    %get3A_187 = arith.constant 0 : index
    %get3A_188 = arith.constant 0 : index
    %get3A_189 = vector.load %arg4[%get3A_186, %get3A_187, %get3A_188] : memref<64x128x128xf32, #tpu.memory_space<vmem>>, vector<1x128x128xf32>
    %get3A_190 = vector.shape_cast %get3A_189 : vector<1x128x128xf32> to vector<128x128xf32>
    %dot_general3A_191 = arith.constant dense<0.000000e+00> : vector<80x128xf32>
    %dot_general3A_192 = tpu.matmul %squeeze3A_185, %get3A_190, %dot_general3A_191 {dimension_numbers = #tpu.dot_dimension_numbers<[1], [0], [0], [1], [0, 0, 1, 1], [], []>, transpose_lhs_hint = false} : vector<80x128xf32>, vector<128x128xf32>, vector<80x128xf32> -> vector<80x128xf32>
    %add3A_193 = arith.addf %add3A_183, %dot_general3A_192 : vector<80x128xf32>
    %slice3A_194 = vector.extract_strided_slice %dot_general3A_102 {offsets = [0, 9, 0], sizes = [80, 1, 128], strides = [1, 1, 1]} : vector<80x64x128xf32> to vector<80x1x128xf32>
    %squeeze3A_195 = vector.shape_cast %slice3A_194 : vector<80x1x128xf32> to vector<80x128xf32>
    %get3A_196 = arith.constant 9 : index
    %get3A_197 = arith.constant 0 : index
    %get3A_198 = arith.constant 0 : index
    %get3A_199 = vector.load %arg4[%get3A_196, %get3A_197, %get3A_198] : memref<64x128x128xf32, #tpu.memory_space<vmem>>, vector<1x128x128xf32>
    %get3A_200 = vector.shape_cast %get3A_199 : vector<1x128x128xf32> to vector<128x128xf32>
    %dot_general3A_201 = arith.constant dense<0.000000e+00> : vector<80x128xf32>
    %dot_general3A_202 = tpu.matmul %squeeze3A_195, %get3A_200, %dot_general3A_201 {dimension_numbers = #tpu.dot_dimension_numbers<[1], [0], [0], [1], [0, 0, 1, 1], [], []>, transpose_lhs_hint = false} : vector<80x128xf32>, vector<128x128xf32>, vector<80x128xf32> -> vector<80x128xf32>
    %add3A_203 = arith.addf %add3A_193, %dot_general3A_202 : vector<80x128xf32>
    %slice3A_204 = vector.extract_strided_slice %dot_general3A_102 {offsets = [0, 10, 0], sizes = [80, 1, 128], strides = [1, 1, 1]} : vector<80x64x128xf32> to vector<80x1x128xf32>
    %squeeze3A_205 = vector.shape_cast %slice3A_204 : vector<80x1x128xf32> to vector<80x128xf32>
    %get3A_206 = arith.constant 10 : index
    %get3A_207 = arith.constant 0 : index
    %get3A_208 = arith.constant 0 : index
    %get3A_209 = vector.load %arg4[%get3A_206, %get3A_207, %get3A_208] : memref<64x128x128xf32, #tpu.memory_space<vmem>>, vector<1x128x128xf32>
    %get3A_210 = vector.shape_cast %get3A_209 : vector<1x128x128xf32> to vector<128x128xf32>
    %dot_general3A_211 = arith.constant dense<0.000000e+00> : vector<80x128xf32>
    %dot_general3A_212 = tpu.matmul %squeeze3A_205, %get3A_210, %dot_general3A_211 {dimension_numbers = #tpu.dot_dimension_numbers<[1], [0], [0], [1], [0, 0, 1, 1], [], []>, transpose_lhs_hint = false} : vector<80x128xf32>, vector<128x128xf32>, vector<80x128xf32> -> vector<80x128xf32>
    %add3A_213 = arith.addf %add3A_203, %dot_general3A_212 : vector<80x128xf32>
    %slice3A_214 = vector.extract_strided_slice %dot_general3A_102 {offsets = [0, 11, 0], sizes = [80, 1, 128], strides = [1, 1, 1]} : vector<80x64x128xf32> to vector<80x1x128xf32>
    %squeeze3A_215 = vector.shape_cast %slice3A_214 : vector<80x1x128xf32> to vector<80x128xf32>
    %get3A_216 = arith.constant 11 : index
    %get3A_217 = arith.constant 0 : index
    %get3A_218 = arith.constant 0 : index
    %get3A_219 = vector.load %arg4[%get3A_216, %get3A_217, %get3A_218] : memref<64x128x128xf32, #tpu.memory_space<vmem>>, vector<1x128x128xf32>
    %get3A_220 = vector.shape_cast %get3A_219 : vector<1x128x128xf32> to vector<128x128xf32>
    %dot_general3A_221 = arith.constant dense<0.000000e+00> : vector<80x128xf32>
    %dot_general3A_222 = tpu.matmul %squeeze3A_215, %get3A_220, %dot_general3A_221 {dimension_numbers = #tpu.dot_dimension_numbers<[1], [0], [0], [1], [0, 0, 1, 1], [], []>, transpose_lhs_hint = false} : vector<80x128xf32>, vector<128x128xf32>, vector<80x128xf32> -> vector<80x128xf32>
    %add3A_223 = arith.addf %add3A_213, %dot_general3A_222 : vector<80x128xf32>
    %slice3A_224 = vector.extract_strided_slice %dot_general3A_102 {offsets = [0, 12, 0], sizes = [80, 1, 128], strides = [1, 1, 1]} : vector<80x64x128xf32> to vector<80x1x128xf32>
    %squeeze3A_225 = vector.shape_cast %slice3A_224 : vector<80x1x128xf32> to vector<80x128xf32>
    %get3A_226 = arith.constant 12 : index
    %get3A_227 = arith.constant 0 : index
    %get3A_228 = arith.constant 0 : index
    %get3A_229 = vector.load %arg4[%get3A_226, %get3A_227, %get3A_228] : memref<64x128x128xf32, #tpu.memory_space<vmem>>, vector<1x128x128xf32>
    %get3A_230 = vector.shape_cast %get3A_229 : vector<1x128x128xf32> to vector<128x128xf32>
    %dot_general3A_231 = arith.constant dense<0.000000e+00> : vector<80x128xf32>
    %dot_general3A_232 = tpu.matmul %squeeze3A_225, %get3A_230, %dot_general3A_231 {dimension_numbers = #tpu.dot_dimension_numbers<[1], [0], [0], [1], [0, 0, 1, 1], [], []>, transpose_lhs_hint = false} : vector<80x128xf32>, vector<128x128xf32>, vector<80x128xf32> -> vector<80x128xf32>
    %add3A_233 = arith.addf %add3A_223, %dot_general3A_232 : vector<80x128xf32>
    %slice3A_234 = vector.extract_strided_slice %dot_general3A_102 {offsets = [0, 13, 0], sizes = [80, 1, 128], strides = [1, 1, 1]} : vector<80x64x128xf32> to vector<80x1x128xf32>
    %squeeze3A_235 = vector.shape_cast %slice3A_234 : vector<80x1x128xf32> to vector<80x128xf32>
    %get3A_236 = arith.constant 13 : index
    %get3A_237 = arith.constant 0 : index
    %get3A_238 = arith.constant 0 : index
    %get3A_239 = vector.load %arg4[%get3A_236, %get3A_237, %get3A_238] : memref<64x128x128xf32, #tpu.memory_space<vmem>>, vector<1x128x128xf32>
    %get3A_240 = vector.shape_cast %get3A_239 : vector<1x128x128xf32> to vector<128x128xf32>
    %dot_general3A_241 = arith.constant dense<0.000000e+00> : vector<80x128xf32>
    %dot_general3A_242 = tpu.matmul %squeeze3A_235, %get3A_240, %dot_general3A_241 {dimension_numbers = #tpu.dot_dimension_numbers<[1], [0], [0], [1], [0, 0, 1, 1], [], []>, transpose_lhs_hint = false} : vector<80x128xf32>, vector<128x128xf32>, vector<80x128xf32> -> vector<80x128xf32>
    %add3A_243 = arith.addf %add3A_233, %dot_general3A_242 : vector<80x128xf32>
    %slice3A_244 = vector.extract_strided_slice %dot_general3A_102 {offsets = [0, 14, 0], sizes = [80, 1, 128], strides = [1, 1, 1]} : vector<80x64x128xf32> to vector<80x1x128xf32>
    %squeeze3A_245 = vector.shape_cast %slice3A_244 : vector<80x1x128xf32> to vector<80x128xf32>
    %get3A_246 = arith.constant 14 : index
    %get3A_247 = arith.constant 0 : index
    %get3A_248 = arith.constant 0 : index
    %get3A_249 = vector.load %arg4[%get3A_246, %get3A_247, %get3A_248] : memref<64x128x128xf32, #tpu.memory_space<vmem>>, vector<1x128x128xf32>
    %get3A_250 = vector.shape_cast %get3A_249 : vector<1x128x128xf32> to vector<128x128xf32>
    %dot_general3A_251 = arith.constant dense<0.000000e+00> : vector<80x128xf32>
    %dot_general3A_252 = tpu.matmul %squeeze3A_245, %get3A_250, %dot_general3A_251 {dimension_numbers = #tpu.dot_dimension_numbers<[1], [0], [0], [1], [0, 0, 1, 1], [], []>, transpose_lhs_hint = false} : vector<80x128xf32>, vector<128x128xf32>, vector<80x128xf32> -> vector<80x128xf32>
    %add3A_253 = arith.addf %add3A_243, %dot_general3A_252 : vector<80x128xf32>
    %slice3A_254 = vector.extract_strided_slice %dot_general3A_102 {offsets = [0, 15, 0], sizes = [80, 1, 128], strides = [1, 1, 1]} : vector<80x64x128xf32> to vector<80x1x128xf32>
    %squeeze3A_255 = vector.shape_cast %slice3A_254 : vector<80x1x128xf32> to vector<80x128xf32>
    %get3A_256 = arith.constant 15 : index
    %get3A_257 = arith.constant 0 : index
    %get3A_258 = arith.constant 0 : index
    %get3A_259 = vector.load %arg4[%get3A_256, %get3A_257, %get3A_258] : memref<64x128x128xf32, #tpu.memory_space<vmem>>, vector<1x128x128xf32>
    %get3A_260 = vector.shape_cast %get3A_259 : vector<1x128x128xf32> to vector<128x128xf32>
    %dot_general3A_261 = arith.constant dense<0.000000e+00> : vector<80x128xf32>
    %dot_general3A_262 = tpu.matmul %squeeze3A_255, %get3A_260, %dot_general3A_261 {dimension_numbers = #tpu.dot_dimension_numbers<[1], [0], [0], [1], [0, 0, 1, 1], [], []>, transpose_lhs_hint = false} : vector<80x128xf32>, vector<128x128xf32>, vector<80x128xf32> -> vector<80x128xf32>
    %add3A_263 = arith.addf %add3A_253, %dot_general3A_262 : vector<80x128xf32>
    %slice3A_264 = vector.extract_strided_slice %dot_general3A_102 {offsets = [0, 16, 0], sizes = [80, 1, 128], strides = [1, 1, 1]} : vector<80x64x128xf32> to vector<80x1x128xf32>
    %squeeze3A_265 = vector.shape_cast %slice3A_264 : vector<80x1x128xf32> to vector<80x128xf32>
    %get3A_266 = arith.constant 16 : index
    %get3A_267 = arith.constant 0 : index
    %get3A_268 = arith.constant 0 : index
    %get3A_269 = vector.load %arg4[%get3A_266, %get3A_267, %get3A_268] : memref<64x128x128xf32, #tpu.memory_space<vmem>>, vector<1x128x128xf32>
    %get3A_270 = vector.shape_cast %get3A_269 : vector<1x128x128xf32> to vector<128x128xf32>
    %dot_general3A_271 = arith.constant dense<0.000000e+00> : vector<80x128xf32>
    %dot_general3A_272 = tpu.matmul %squeeze3A_265, %get3A_270, %dot_general3A_271 {dimension_numbers = #tpu.dot_dimension_numbers<[1], [0], [0], [1], [0, 0, 1, 1], [], []>, transpose_lhs_hint = false} : vector<80x128xf32>, vector<128x128xf32>, vector<80x128xf32> -> vector<80x128xf32>
    %add3A_273 = arith.addf %add3A_263, %dot_general3A_272 : vector<80x128xf32>
    %slice3A_274 = vector.extract_strided_slice %dot_general3A_102 {offsets = [0, 17, 0], sizes = [80, 1, 128], strides = [1, 1, 1]} : vector<80x64x128xf32> to vector<80x1x128xf32>
    %squeeze3A_275 = vector.shape_cast %slice3A_274 : vector<80x1x128xf32> to vector<80x128xf32>
    %get3A_276 = arith.constant 17 : index
    %get3A_277 = arith.constant 0 : index
    %get3A_278 = arith.constant 0 : index
    %get3A_279 = vector.load %arg4[%get3A_276, %get3A_277, %get3A_278] : memref<64x128x128xf32, #tpu.memory_space<vmem>>, vector<1x128x128xf32>
    %get3A_280 = vector.shape_cast %get3A_279 : vector<1x128x128xf32> to vector<128x128xf32>
    %dot_general3A_281 = arith.constant dense<0.000000e+00> : vector<80x128xf32>
    %dot_general3A_282 = tpu.matmul %squeeze3A_275, %get3A_280, %dot_general3A_281 {dimension_numbers = #tpu.dot_dimension_numbers<[1], [0], [0], [1], [0, 0, 1, 1], [], []>, transpose_lhs_hint = false} : vector<80x128xf32>, vector<128x128xf32>, vector<80x128xf32> -> vector<80x128xf32>
    %add3A_283 = arith.addf %add3A_273, %dot_general3A_282 : vector<80x128xf32>
    %slice3A_284 = vector.extract_strided_slice %dot_general3A_102 {offsets = [0, 18, 0], sizes = [80, 1, 128], strides = [1, 1, 1]} : vector<80x64x128xf32> to vector<80x1x128xf32>
    %squeeze3A_285 = vector.shape_cast %slice3A_284 : vector<80x1x128xf32> to vector<80x128xf32>
    %get3A_286 = arith.constant 18 : index
    %get3A_287 = arith.constant 0 : index
    %get3A_288 = arith.constant 0 : index
    %get3A_289 = vector.load %arg4[%get3A_286, %get3A_287, %get3A_288] : memref<64x128x128xf32, #tpu.memory_space<vmem>>, vector<1x128x128xf32>
    %get3A_290 = vector.shape_cast %get3A_289 : vector<1x128x128xf32> to vector<128x128xf32>
    %dot_general3A_291 = arith.constant dense<0.000000e+00> : vector<80x128xf32>
    %dot_general3A_292 = tpu.matmul %squeeze3A_285, %get3A_290, %dot_general3A_291 {dimension_numbers = #tpu.dot_dimension_numbers<[1], [0], [0], [1], [0, 0, 1, 1], [], []>, transpose_lhs_hint = false} : vector<80x128xf32>, vector<128x128xf32>, vector<80x128xf32> -> vector<80x128xf32>
    %add3A_293 = arith.addf %add3A_283, %dot_general3A_292 : vector<80x128xf32>
    %slice3A_294 = vector.extract_strided_slice %dot_general3A_102 {offsets = [0, 19, 0], sizes = [80, 1, 128], strides = [1, 1, 1]} : vector<80x64x128xf32> to vector<80x1x128xf32>
    %squeeze3A_295 = vector.shape_cast %slice3A_294 : vector<80x1x128xf32> to vector<80x128xf32>
    %get3A_296 = arith.constant 19 : index
    %get3A_297 = arith.constant 0 : index
    %get3A_298 = arith.constant 0 : index
    %get3A_299 = vector.load %arg4[%get3A_296, %get3A_297, %get3A_298] : memref<64x128x128xf32, #tpu.memory_space<vmem>>, vector<1x128x128xf32>
    %get3A_300 = vector.shape_cast %get3A_299 : vector<1x128x128xf32> to vector<128x128xf32>
    %dot_general3A_301 = arith.constant dense<0.000000e+00> : vector<80x128xf32>
    %dot_general3A_302 = tpu.matmul %squeeze3A_295, %get3A_300, %dot_general3A_301 {dimension_numbers = #tpu.dot_dimension_numbers<[1], [0], [0], [1], [0, 0, 1, 1], [], []>, transpose_lhs_hint = false} : vector<80x128xf32>, vector<128x128xf32>, vector<80x128xf32> -> vector<80x128xf32>
    %add3A_303 = arith.addf %add3A_293, %dot_general3A_302 : vector<80x128xf32>
    %slice3A_304 = vector.extract_strided_slice %dot_general3A_102 {offsets = [0, 20, 0], sizes = [80, 1, 128], strides = [1, 1, 1]} : vector<80x64x128xf32> to vector<80x1x128xf32>
    %squeeze3A_305 = vector.shape_cast %slice3A_304 : vector<80x1x128xf32> to vector<80x128xf32>
    %get3A_306 = arith.constant 20 : index
    %get3A_307 = arith.constant 0 : index
    %get3A_308 = arith.constant 0 : index
    %get3A_309 = vector.load %arg4[%get3A_306, %get3A_307, %get3A_308] : memref<64x128x128xf32, #tpu.memory_space<vmem>>, vector<1x128x128xf32>
    %get3A_310 = vector.shape_cast %get3A_309 : vector<1x128x128xf32> to vector<128x128xf32>
    %dot_general3A_311 = arith.constant dense<0.000000e+00> : vector<80x128xf32>
    %dot_general3A_312 = tpu.matmul %squeeze3A_305, %get3A_310, %dot_general3A_311 {dimension_numbers = #tpu.dot_dimension_numbers<[1], [0], [0], [1], [0, 0, 1, 1], [], []>, transpose_lhs_hint = false} : vector<80x128xf32>, vector<128x128xf32>, vector<80x128xf32> -> vector<80x128xf32>
    %add3A_313 = arith.addf %add3A_303, %dot_general3A_312 : vector<80x128xf32>
    %slice3A_314 = vector.extract_strided_slice %dot_general3A_102 {offsets = [0, 21, 0], sizes = [80, 1, 128], strides = [1, 1, 1]} : vector<80x64x128xf32> to vector<80x1x128xf32>
    %squeeze3A_315 = vector.shape_cast %slice3A_314 : vector<80x1x128xf32> to vector<80x128xf32>
    %get3A_316 = arith.constant 21 : index
    %get3A_317 = arith.constant 0 : index
    %get3A_318 = arith.constant 0 : index
    %get3A_319 = vector.load %arg4[%get3A_316, %get3A_317, %get3A_318] : memref<64x128x128xf32, #tpu.memory_space<vmem>>, vector<1x128x128xf32>
    %get3A_320 = vector.shape_cast %get3A_319 : vector<1x128x128xf32> to vector<128x128xf32>
    %dot_general3A_321 = arith.constant dense<0.000000e+00> : vector<80x128xf32>
    %dot_general3A_322 = tpu.matmul %squeeze3A_315, %get3A_320, %dot_general3A_321 {dimension_numbers = #tpu.dot_dimension_numbers<[1], [0], [0], [1], [0, 0, 1, 1], [], []>, transpose_lhs_hint = false} : vector<80x128xf32>, vector<128x128xf32>, vector<80x128xf32> -> vector<80x128xf32>
    %add3A_323 = arith.addf %add3A_313, %dot_general3A_322 : vector<80x128xf32>
    %slice3A_324 = vector.extract_strided_slice %dot_general3A_102 {offsets = [0, 22, 0], sizes = [80, 1, 128], strides = [1, 1, 1]} : vector<80x64x128xf32> to vector<80x1x128xf32>
    %squeeze3A_325 = vector.shape_cast %slice3A_324 : vector<80x1x128xf32> to vector<80x128xf32>
    %get3A_326 = arith.constant 22 : index
    %get3A_327 = arith.constant 0 : index
    %get3A_328 = arith.constant 0 : index
    %get3A_329 = vector.load %arg4[%get3A_326, %get3A_327, %get3A_328] : memref<64x128x128xf32, #tpu.memory_space<vmem>>, vector<1x128x128xf32>
    %get3A_330 = vector.shape_cast %get3A_329 : vector<1x128x128xf32> to vector<128x128xf32>
    %dot_general3A_331 = arith.constant dense<0.000000e+00> : vector<80x128xf32>
    %dot_general3A_332 = tpu.matmul %squeeze3A_325, %get3A_330, %dot_general3A_331 {dimension_numbers = #tpu.dot_dimension_numbers<[1], [0], [0], [1], [0, 0, 1, 1], [], []>, transpose_lhs_hint = false} : vector<80x128xf32>, vector<128x128xf32>, vector<80x128xf32> -> vector<80x128xf32>
    %add3A_333 = arith.addf %add3A_323, %dot_general3A_332 : vector<80x128xf32>
    %slice3A_334 = vector.extract_strided_slice %dot_general3A_102 {offsets = [0, 23, 0], sizes = [80, 1, 128], strides = [1, 1, 1]} : vector<80x64x128xf32> to vector<80x1x128xf32>
    %squeeze3A_335 = vector.shape_cast %slice3A_334 : vector<80x1x128xf32> to vector<80x128xf32>
    %get3A_336 = arith.constant 23 : index
    %get3A_337 = arith.constant 0 : index
    %get3A_338 = arith.constant 0 : index
    %get3A_339 = vector.load %arg4[%get3A_336, %get3A_337, %get3A_338] : memref<64x128x128xf32, #tpu.memory_space<vmem>>, vector<1x128x128xf32>
    %get3A_340 = vector.shape_cast %get3A_339 : vector<1x128x128xf32> to vector<128x128xf32>
    %dot_general3A_341 = arith.constant dense<0.000000e+00> : vector<80x128xf32>
    %dot_general3A_342 = tpu.matmul %squeeze3A_335, %get3A_340, %dot_general3A_341 {dimension_numbers = #tpu.dot_dimension_numbers<[1], [0], [0], [1], [0, 0, 1, 1], [], []>, transpose_lhs_hint = false} : vector<80x128xf32>, vector<128x128xf32>, vector<80x128xf32> -> vector<80x128xf32>
    %add3A_343 = arith.addf %add3A_333, %dot_general3A_342 : vector<80x128xf32>
    %slice3A_344 = vector.extract_strided_slice %dot_general3A_102 {offsets = [0, 24, 0], sizes = [80, 1, 128], strides = [1, 1, 1]} : vector<80x64x128xf32> to vector<80x1x128xf32>
    %squeeze3A_345 = vector.shape_cast %slice3A_344 : vector<80x1x128xf32> to vector<80x128xf32>
    %get3A_346 = arith.constant 24 : index
    %get3A_347 = arith.constant 0 : index
    %get3A_348 = arith.constant 0 : index
    %get3A_349 = vector.load %arg4[%get3A_346, %get3A_347, %get3A_348] : memref<64x128x128xf32, #tpu.memory_space<vmem>>, vector<1x128x128xf32>
    %get3A_350 = vector.shape_cast %get3A_349 : vector<1x128x128xf32> to vector<128x128xf32>
    %dot_general3A_351 = arith.constant dense<0.000000e+00> : vector<80x128xf32>
    %dot_general3A_352 = tpu.matmul %squeeze3A_345, %get3A_350, %dot_general3A_351 {dimension_numbers = #tpu.dot_dimension_numbers<[1], [0], [0], [1], [0, 0, 1, 1], [], []>, transpose_lhs_hint = false} : vector<80x128xf32>, vector<128x128xf32>, vector<80x128xf32> -> vector<80x128xf32>
    %add3A_353 = arith.addf %add3A_343, %dot_general3A_352 : vector<80x128xf32>
    %slice3A_354 = vector.extract_strided_slice %dot_general3A_102 {offsets = [0, 25, 0], sizes = [80, 1, 128], strides = [1, 1, 1]} : vector<80x64x128xf32> to vector<80x1x128xf32>
    %squeeze3A_355 = vector.shape_cast %slice3A_354 : vector<80x1x128xf32> to vector<80x128xf32>
    %get3A_356 = arith.constant 25 : index
    %get3A_357 = arith.constant 0 : index
    %get3A_358 = arith.constant 0 : index
    %get3A_359 = vector.load %arg4[%get3A_356, %get3A_357, %get3A_358] : memref<64x128x128xf32, #tpu.memory_space<vmem>>, vector<1x128x128xf32>
    %get3A_360 = vector.shape_cast %get3A_359 : vector<1x128x128xf32> to vector<128x128xf32>
    %dot_general3A_361 = arith.constant dense<0.000000e+00> : vector<80x128xf32>
    %dot_general3A_362 = tpu.matmul %squeeze3A_355, %get3A_360, %dot_general3A_361 {dimension_numbers = #tpu.dot_dimension_numbers<[1], [0], [0], [1], [0, 0, 1, 1], [], []>, transpose_lhs_hint = false} : vector<80x128xf32>, vector<128x128xf32>, vector<80x128xf32> -> vector<80x128xf32>
    %add3A_363 = arith.addf %add3A_353, %dot_general3A_362 : vector<80x128xf32>
    %slice3A_364 = vector.extract_strided_slice %dot_general3A_102 {offsets = [0, 26, 0], sizes = [80, 1, 128], strides = [1, 1, 1]} : vector<80x64x128xf32> to vector<80x1x128xf32>
    %squeeze3A_365 = vector.shape_cast %slice3A_364 : vector<80x1x128xf32> to vector<80x128xf32>
    %get3A_366 = arith.constant 26 : index
    %get3A_367 = arith.constant 0 : index
    %get3A_368 = arith.constant 0 : index
    %get3A_369 = vector.load %arg4[%get3A_366, %get3A_367, %get3A_368] : memref<64x128x128xf32, #tpu.memory_space<vmem>>, vector<1x128x128xf32>
    %get3A_370 = vector.shape_cast %get3A_369 : vector<1x128x128xf32> to vector<128x128xf32>
    %dot_general3A_371 = arith.constant dense<0.000000e+00> : vector<80x128xf32>
    %dot_general3A_372 = tpu.matmul %squeeze3A_365, %get3A_370, %dot_general3A_371 {dimension_numbers = #tpu.dot_dimension_numbers<[1], [0], [0], [1], [0, 0, 1, 1], [], []>, transpose_lhs_hint = false} : vector<80x128xf32>, vector<128x128xf32>, vector<80x128xf32> -> vector<80x128xf32>
    %add3A_373 = arith.addf %add3A_363, %dot_general3A_372 : vector<80x128xf32>
    %slice3A_374 = vector.extract_strided_slice %dot_general3A_102 {offsets = [0, 27, 0], sizes = [80, 1, 128], strides = [1, 1, 1]} : vector<80x64x128xf32> to vector<80x1x128xf32>
    %squeeze3A_375 = vector.shape_cast %slice3A_374 : vector<80x1x128xf32> to vector<80x128xf32>
    %get3A_376 = arith.constant 27 : index
    %get3A_377 = arith.constant 0 : index
    %get3A_378 = arith.constant 0 : index
    %get3A_379 = vector.load %arg4[%get3A_376, %get3A_377, %get3A_378] : memref<64x128x128xf32, #tpu.memory_space<vmem>>, vector<1x128x128xf32>
    %get3A_380 = vector.shape_cast %get3A_379 : vector<1x128x128xf32> to vector<128x128xf32>
    %dot_general3A_381 = arith.constant dense<0.000000e+00> : vector<80x128xf32>
    %dot_general3A_382 = tpu.matmul %squeeze3A_375, %get3A_380, %dot_general3A_381 {dimension_numbers = #tpu.dot_dimension_numbers<[1], [0], [0], [1], [0, 0, 1, 1], [], []>, transpose_lhs_hint = false} : vector<80x128xf32>, vector<128x128xf32>, vector<80x128xf32> -> vector<80x128xf32>
    %add3A_383 = arith.addf %add3A_373, %dot_general3A_382 : vector<80x128xf32>
    %slice3A_384 = vector.extract_strided_slice %dot_general3A_102 {offsets = [0, 28, 0], sizes = [80, 1, 128], strides = [1, 1, 1]} : vector<80x64x128xf32> to vector<80x1x128xf32>
    %squeeze3A_385 = vector.shape_cast %slice3A_384 : vector<80x1x128xf32> to vector<80x128xf32>
    %get3A_386 = arith.constant 28 : index
    %get3A_387 = arith.constant 0 : index
    %get3A_388 = arith.constant 0 : index
    %get3A_389 = vector.load %arg4[%get3A_386, %get3A_387, %get3A_388] : memref<64x128x128xf32, #tpu.memory_space<vmem>>, vector<1x128x128xf32>
    %get3A_390 = vector.shape_cast %get3A_389 : vector<1x128x128xf32> to vector<128x128xf32>
    %dot_general3A_391 = arith.constant dense<0.000000e+00> : vector<80x128xf32>
    %dot_general3A_392 = tpu.matmul %squeeze3A_385, %get3A_390, %dot_general3A_391 {dimension_numbers = #tpu.dot_dimension_numbers<[1], [0], [0], [1], [0, 0, 1, 1], [], []>, transpose_lhs_hint = false} : vector<80x128xf32>, vector<128x128xf32>, vector<80x128xf32> -> vector<80x128xf32>
    %add3A_393 = arith.addf %add3A_383, %dot_general3A_392 : vector<80x128xf32>
    %slice3A_394 = vector.extract_strided_slice %dot_general3A_102 {offsets = [0, 29, 0], sizes = [80, 1, 128], strides = [1, 1, 1]} : vector<80x64x128xf32> to vector<80x1x128xf32>
    %squeeze3A_395 = vector.shape_cast %slice3A_394 : vector<80x1x128xf32> to vector<80x128xf32>
    %get3A_396 = arith.constant 29 : index
    %get3A_397 = arith.constant 0 : index
    %get3A_398 = arith.constant 0 : index
    %get3A_399 = vector.load %arg4[%get3A_396, %get3A_397, %get3A_398] : memref<64x128x128xf32, #tpu.memory_space<vmem>>, vector<1x128x128xf32>
    %get3A_400 = vector.shape_cast %get3A_399 : vector<1x128x128xf32> to vector<128x128xf32>
    %dot_general3A_401 = arith.constant dense<0.000000e+00> : vector<80x128xf32>
    %dot_general3A_402 = tpu.matmul %squeeze3A_395, %get3A_400, %dot_general3A_401 {dimension_numbers = #tpu.dot_dimension_numbers<[1], [0], [0], [1], [0, 0, 1, 1], [], []>, transpose_lhs_hint = false} : vector<80x128xf32>, vector<128x128xf32>, vector<80x128xf32> -> vector<80x128xf32>
    %add3A_403 = arith.addf %add3A_393, %dot_general3A_402 : vector<80x128xf32>
    %slice3A_404 = vector.extract_strided_slice %dot_general3A_102 {offsets = [0, 30, 0], sizes = [80, 1, 128], strides = [1, 1, 1]} : vector<80x64x128xf32> to vector<80x1x128xf32>
    %squeeze3A_405 = vector.shape_cast %slice3A_404 : vector<80x1x128xf32> to vector<80x128xf32>
    %get3A_406 = arith.constant 30 : index
    %get3A_407 = arith.constant 0 : index
    %get3A_408 = arith.constant 0 : index
    %get3A_409 = vector.load %arg4[%get3A_406, %get3A_407, %get3A_408] : memref<64x128x128xf32, #tpu.memory_space<vmem>>, vector<1x128x128xf32>
    %get3A_410 = vector.shape_cast %get3A_409 : vector<1x128x128xf32> to vector<128x128xf32>
    %dot_general3A_411 = arith.constant dense<0.000000e+00> : vector<80x128xf32>
    %dot_general3A_412 = tpu.matmul %squeeze3A_405, %get3A_410, %dot_general3A_411 {dimension_numbers = #tpu.dot_dimension_numbers<[1], [0], [0], [1], [0, 0, 1, 1], [], []>, transpose_lhs_hint = false} : vector<80x128xf32>, vector<128x128xf32>, vector<80x128xf32> -> vector<80x128xf32>
    %add3A_413 = arith.addf %add3A_403, %dot_general3A_412 : vector<80x128xf32>
    %slice3A_414 = vector.extract_strided_slice %dot_general3A_102 {offsets = [0, 31, 0], sizes = [80, 1, 128], strides = [1, 1, 1]} : vector<80x64x128xf32> to vector<80x1x128xf32>
    %squeeze3A_415 = vector.shape_cast %slice3A_414 : vector<80x1x128xf32> to vector<80x128xf32>
    %get3A_416 = arith.constant 31 : index
    %get3A_417 = arith.constant 0 : index
    %get3A_418 = arith.constant 0 : index
    %get3A_419 = vector.load %arg4[%get3A_416, %get3A_417, %get3A_418] : memref<64x128x128xf32, #tpu.memory_space<vmem>>, vector<1x128x128xf32>
    %get3A_420 = vector.shape_cast %get3A_419 : vector<1x128x128xf32> to vector<128x128xf32>
    %dot_general3A_421 = arith.constant dense<0.000000e+00> : vector<80x128xf32>
    %dot_general3A_422 = tpu.matmul %squeeze3A_415, %get3A_420, %dot_general3A_421 {dimension_numbers = #tpu.dot_dimension_numbers<[1], [0], [0], [1], [0, 0, 1, 1], [], []>, transpose_lhs_hint = false} : vector<80x128xf32>, vector<128x128xf32>, vector<80x128xf32> -> vector<80x128xf32>
    %add3A_423 = arith.addf %add3A_413, %dot_general3A_422 : vector<80x128xf32>
    %slice3A_424 = vector.extract_strided_slice %dot_general3A_102 {offsets = [0, 32, 0], sizes = [80, 1, 128], strides = [1, 1, 1]} : vector<80x64x128xf32> to vector<80x1x128xf32>
    %squeeze3A_425 = vector.shape_cast %slice3A_424 : vector<80x1x128xf32> to vector<80x128xf32>
    %get3A_426 = arith.constant 32 : index
    %get3A_427 = arith.constant 0 : index
    %get3A_428 = arith.constant 0 : index
    %get3A_429 = vector.load %arg4[%get3A_426, %get3A_427, %get3A_428] : memref<64x128x128xf32, #tpu.memory_space<vmem>>, vector<1x128x128xf32>
    %get3A_430 = vector.shape_cast %get3A_429 : vector<1x128x128xf32> to vector<128x128xf32>
    %dot_general3A_431 = arith.constant dense<0.000000e+00> : vector<80x128xf32>
    %dot_general3A_432 = tpu.matmul %squeeze3A_425, %get3A_430, %dot_general3A_431 {dimension_numbers = #tpu.dot_dimension_numbers<[1], [0], [0], [1], [0, 0, 1, 1], [], []>, transpose_lhs_hint = false} : vector<80x128xf32>, vector<128x128xf32>, vector<80x128xf32> -> vector<80x128xf32>
    %add3A_433 = arith.addf %add3A_423, %dot_general3A_432 : vector<80x128xf32>
    %slice3A_434 = vector.extract_strided_slice %dot_general3A_102 {offsets = [0, 33, 0], sizes = [80, 1, 128], strides = [1, 1, 1]} : vector<80x64x128xf32> to vector<80x1x128xf32>
    %squeeze3A_435 = vector.shape_cast %slice3A_434 : vector<80x1x128xf32> to vector<80x128xf32>
    %get3A_436 = arith.constant 33 : index
    %get3A_437 = arith.constant 0 : index
    %get3A_438 = arith.constant 0 : index
    %get3A_439 = vector.load %arg4[%get3A_436, %get3A_437, %get3A_438] : memref<64x128x128xf32, #tpu.memory_space<vmem>>, vector<1x128x128xf32>
    %get3A_440 = vector.shape_cast %get3A_439 : vector<1x128x128xf32> to vector<128x128xf32>
    %dot_general3A_441 = arith.constant dense<0.000000e+00> : vector<80x128xf32>
    %dot_general3A_442 = tpu.matmul %squeeze3A_435, %get3A_440, %dot_general3A_441 {dimension_numbers = #tpu.dot_dimension_numbers<[1], [0], [0], [1], [0, 0, 1, 1], [], []>, transpose_lhs_hint = false} : vector<80x128xf32>, vector<128x128xf32>, vector<80x128xf32> -> vector<80x128xf32>
    %add3A_443 = arith.addf %add3A_433, %dot_general3A_442 : vector<80x128xf32>
    %slice3A_444 = vector.extract_strided_slice %dot_general3A_102 {offsets = [0, 34, 0], sizes = [80, 1, 128], strides = [1, 1, 1]} : vector<80x64x128xf32> to vector<80x1x128xf32>
    %squeeze3A_445 = vector.shape_cast %slice3A_444 : vector<80x1x128xf32> to vector<80x128xf32>
    %get3A_446 = arith.constant 34 : index
    %get3A_447 = arith.constant 0 : index
    %get3A_448 = arith.constant 0 : index
    %get3A_449 = vector.load %arg4[%get3A_446, %get3A_447, %get3A_448] : memref<64x128x128xf32, #tpu.memory_space<vmem>>, vector<1x128x128xf32>
    %get3A_450 = vector.shape_cast %get3A_449 : vector<1x128x128xf32> to vector<128x128xf32>
    %dot_general3A_451 = arith.constant dense<0.000000e+00> : vector<80x128xf32>
    %dot_general3A_452 = tpu.matmul %squeeze3A_445, %get3A_450, %dot_general3A_451 {dimension_numbers = #tpu.dot_dimension_numbers<[1], [0], [0], [1], [0, 0, 1, 1], [], []>, transpose_lhs_hint = false} : vector<80x128xf32>, vector<128x128xf32>, vector<80x128xf32> -> vector<80x128xf32>
    %add3A_453 = arith.addf %add3A_443, %dot_general3A_452 : vector<80x128xf32>
    %slice3A_454 = vector.extract_strided_slice %dot_general3A_102 {offsets = [0, 35, 0], sizes = [80, 1, 128], strides = [1, 1, 1]} : vector<80x64x128xf32> to vector<80x1x128xf32>
    %squeeze3A_455 = vector.shape_cast %slice3A_454 : vector<80x1x128xf32> to vector<80x128xf32>
    %get3A_456 = arith.constant 35 : index
    %get3A_457 = arith.constant 0 : index
    %get3A_458 = arith.constant 0 : index
    %get3A_459 = vector.load %arg4[%get3A_456, %get3A_457, %get3A_458] : memref<64x128x128xf32, #tpu.memory_space<vmem>>, vector<1x128x128xf32>
    %get3A_460 = vector.shape_cast %get3A_459 : vector<1x128x128xf32> to vector<128x128xf32>
    %dot_general3A_461 = arith.constant dense<0.000000e+00> : vector<80x128xf32>
    %dot_general3A_462 = tpu.matmul %squeeze3A_455, %get3A_460, %dot_general3A_461 {dimension_numbers = #tpu.dot_dimension_numbers<[1], [0], [0], [1], [0, 0, 1, 1], [], []>, transpose_lhs_hint = false} : vector<80x128xf32>, vector<128x128xf32>, vector<80x128xf32> -> vector<80x128xf32>
    %add3A_463 = arith.addf %add3A_453, %dot_general3A_462 : vector<80x128xf32>
    %slice3A_464 = vector.extract_strided_slice %dot_general3A_102 {offsets = [0, 36, 0], sizes = [80, 1, 128], strides = [1, 1, 1]} : vector<80x64x128xf32> to vector<80x1x128xf32>
    %squeeze3A_465 = vector.shape_cast %slice3A_464 : vector<80x1x128xf32> to vector<80x128xf32>
    %get3A_466 = arith.constant 36 : index
    %get3A_467 = arith.constant 0 : index
    %get3A_468 = arith.constant 0 : index
    %get3A_469 = vector.load %arg4[%get3A_466, %get3A_467, %get3A_468] : memref<64x128x128xf32, #tpu.memory_space<vmem>>, vector<1x128x128xf32>
    %get3A_470 = vector.shape_cast %get3A_469 : vector<1x128x128xf32> to vector<128x128xf32>
    %dot_general3A_471 = arith.constant dense<0.000000e+00> : vector<80x128xf32>
    %dot_general3A_472 = tpu.matmul %squeeze3A_465, %get3A_470, %dot_general3A_471 {dimension_numbers = #tpu.dot_dimension_numbers<[1], [0], [0], [1], [0, 0, 1, 1], [], []>, transpose_lhs_hint = false} : vector<80x128xf32>, vector<128x128xf32>, vector<80x128xf32> -> vector<80x128xf32>
    %add3A_473 = arith.addf %add3A_463, %dot_general3A_472 : vector<80x128xf32>
    %slice3A_474 = vector.extract_strided_slice %dot_general3A_102 {offsets = [0, 37, 0], sizes = [80, 1, 128], strides = [1, 1, 1]} : vector<80x64x128xf32> to vector<80x1x128xf32>
    %squeeze3A_475 = vector.shape_cast %slice3A_474 : vector<80x1x128xf32> to vector<80x128xf32>
    %get3A_476 = arith.constant 37 : index
    %get3A_477 = arith.constant 0 : index
    %get3A_478 = arith.constant 0 : index
    %get3A_479 = vector.load %arg4[%get3A_476, %get3A_477, %get3A_478] : memref<64x128x128xf32, #tpu.memory_space<vmem>>, vector<1x128x128xf32>
    %get3A_480 = vector.shape_cast %get3A_479 : vector<1x128x128xf32> to vector<128x128xf32>
    %dot_general3A_481 = arith.constant dense<0.000000e+00> : vector<80x128xf32>
    %dot_general3A_482 = tpu.matmul %squeeze3A_475, %get3A_480, %dot_general3A_481 {dimension_numbers = #tpu.dot_dimension_numbers<[1], [0], [0], [1], [0, 0, 1, 1], [], []>, transpose_lhs_hint = false} : vector<80x128xf32>, vector<128x128xf32>, vector<80x128xf32> -> vector<80x128xf32>
    %add3A_483 = arith.addf %add3A_473, %dot_general3A_482 : vector<80x128xf32>
    %slice3A_484 = vector.extract_strided_slice %dot_general3A_102 {offsets = [0, 38, 0], sizes = [80, 1, 128], strides = [1, 1, 1]} : vector<80x64x128xf32> to vector<80x1x128xf32>
    %squeeze3A_485 = vector.shape_cast %slice3A_484 : vector<80x1x128xf32> to vector<80x128xf32>
    %get3A_486 = arith.constant 38 : index
    %get3A_487 = arith.constant 0 : index
    %get3A_488 = arith.constant 0 : index
    %get3A_489 = vector.load %arg4[%get3A_486, %get3A_487, %get3A_488] : memref<64x128x128xf32, #tpu.memory_space<vmem>>, vector<1x128x128xf32>
    %get3A_490 = vector.shape_cast %get3A_489 : vector<1x128x128xf32> to vector<128x128xf32>
    %dot_general3A_491 = arith.constant dense<0.000000e+00> : vector<80x128xf32>
    %dot_general3A_492 = tpu.matmul %squeeze3A_485, %get3A_490, %dot_general3A_491 {dimension_numbers = #tpu.dot_dimension_numbers<[1], [0], [0], [1], [0, 0, 1, 1], [], []>, transpose_lhs_hint = false} : vector<80x128xf32>, vector<128x128xf32>, vector<80x128xf32> -> vector<80x128xf32>
    %add3A_493 = arith.addf %add3A_483, %dot_general3A_492 : vector<80x128xf32>
    %slice3A_494 = vector.extract_strided_slice %dot_general3A_102 {offsets = [0, 39, 0], sizes = [80, 1, 128], strides = [1, 1, 1]} : vector<80x64x128xf32> to vector<80x1x128xf32>
    %squeeze3A_495 = vector.shape_cast %slice3A_494 : vector<80x1x128xf32> to vector<80x128xf32>
    %get3A_496 = arith.constant 39 : index
    %get3A_497 = arith.constant 0 : index
    %get3A_498 = arith.constant 0 : index
    %get3A_499 = vector.load %arg4[%get3A_496, %get3A_497, %get3A_498] : memref<64x128x128xf32, #tpu.memory_space<vmem>>, vector<1x128x128xf32>
    %get3A_500 = vector.shape_cast %get3A_499 : vector<1x128x128xf32> to vector<128x128xf32>
    %dot_general3A_501 = arith.constant dense<0.000000e+00> : vector<80x128xf32>
    %dot_general3A_502 = tpu.matmul %squeeze3A_495, %get3A_500, %dot_general3A_501 {dimension_numbers = #tpu.dot_dimension_numbers<[1], [0], [0], [1], [0, 0, 1, 1], [], []>, transpose_lhs_hint = false} : vector<80x128xf32>, vector<128x128xf32>, vector<80x128xf32> -> vector<80x128xf32>
    %add3A_503 = arith.addf %add3A_493, %dot_general3A_502 : vector<80x128xf32>
    %slice3A_504 = vector.extract_strided_slice %dot_general3A_102 {offsets = [0, 40, 0], sizes = [80, 1, 128], strides = [1, 1, 1]} : vector<80x64x128xf32> to vector<80x1x128xf32>
    %squeeze3A_505 = vector.shape_cast %slice3A_504 : vector<80x1x128xf32> to vector<80x128xf32>
    %get3A_506 = arith.constant 40 : index
    %get3A_507 = arith.constant 0 : index
    %get3A_508 = arith.constant 0 : index
    %get3A_509 = vector.load %arg4[%get3A_506, %get3A_507, %get3A_508] : memref<64x128x128xf32, #tpu.memory_space<vmem>>, vector<1x128x128xf32>
    %get3A_510 = vector.shape_cast %get3A_509 : vector<1x128x128xf32> to vector<128x128xf32>
    %dot_general3A_511 = arith.constant dense<0.000000e+00> : vector<80x128xf32>
    %dot_general3A_512 = tpu.matmul %squeeze3A_505, %get3A_510, %dot_general3A_511 {dimension_numbers = #tpu.dot_dimension_numbers<[1], [0], [0], [1], [0, 0, 1, 1], [], []>, transpose_lhs_hint = false} : vector<80x128xf32>, vector<128x128xf32>, vector<80x128xf32> -> vector<80x128xf32>
    %add3A_513 = arith.addf %add3A_503, %dot_general3A_512 : vector<80x128xf32>
    %slice3A_514 = vector.extract_strided_slice %dot_general3A_102 {offsets = [0, 41, 0], sizes = [80, 1, 128], strides = [1, 1, 1]} : vector<80x64x128xf32> to vector<80x1x128xf32>
    %squeeze3A_515 = vector.shape_cast %slice3A_514 : vector<80x1x128xf32> to vector<80x128xf32>
    %get3A_516 = arith.constant 41 : index
    %get3A_517 = arith.constant 0 : index
    %get3A_518 = arith.constant 0 : index
    %get3A_519 = vector.load %arg4[%get3A_516, %get3A_517, %get3A_518] : memref<64x128x128xf32, #tpu.memory_space<vmem>>, vector<1x128x128xf32>
    %get3A_520 = vector.shape_cast %get3A_519 : vector<1x128x128xf32> to vector<128x128xf32>
    %dot_general3A_521 = arith.constant dense<0.000000e+00> : vector<80x128xf32>
    %dot_general3A_522 = tpu.matmul %squeeze3A_515, %get3A_520, %dot_general3A_521 {dimension_numbers = #tpu.dot_dimension_numbers<[1], [0], [0], [1], [0, 0, 1, 1], [], []>, transpose_lhs_hint = false} : vector<80x128xf32>, vector<128x128xf32>, vector<80x128xf32> -> vector<80x128xf32>
    %add3A_523 = arith.addf %add3A_513, %dot_general3A_522 : vector<80x128xf32>
    %slice3A_524 = vector.extract_strided_slice %dot_general3A_102 {offsets = [0, 42, 0], sizes = [80, 1, 128], strides = [1, 1, 1]} : vector<80x64x128xf32> to vector<80x1x128xf32>
    %squeeze3A_525 = vector.shape_cast %slice3A_524 : vector<80x1x128xf32> to vector<80x128xf32>
    %get3A_526 = arith.constant 42 : index
    %get3A_527 = arith.constant 0 : index
    %get3A_528 = arith.constant 0 : index
    %get3A_529 = vector.load %arg4[%get3A_526, %get3A_527, %get3A_528] : memref<64x128x128xf32, #tpu.memory_space<vmem>>, vector<1x128x128xf32>
    %get3A_530 = vector.shape_cast %get3A_529 : vector<1x128x128xf32> to vector<128x128xf32>
    %dot_general3A_531 = arith.constant dense<0.000000e+00> : vector<80x128xf32>
    %dot_general3A_532 = tpu.matmul %squeeze3A_525, %get3A_530, %dot_general3A_531 {dimension_numbers = #tpu.dot_dimension_numbers<[1], [0], [0], [1], [0, 0, 1, 1], [], []>, transpose_lhs_hint = false} : vector<80x128xf32>, vector<128x128xf32>, vector<80x128xf32> -> vector<80x128xf32>
    %add3A_533 = arith.addf %add3A_523, %dot_general3A_532 : vector<80x128xf32>
    %slice3A_534 = vector.extract_strided_slice %dot_general3A_102 {offsets = [0, 43, 0], sizes = [80, 1, 128], strides = [1, 1, 1]} : vector<80x64x128xf32> to vector<80x1x128xf32>
    %squeeze3A_535 = vector.shape_cast %slice3A_534 : vector<80x1x128xf32> to vector<80x128xf32>
    %get3A_536 = arith.constant 43 : index
    %get3A_537 = arith.constant 0 : index
    %get3A_538 = arith.constant 0 : index
    %get3A_539 = vector.load %arg4[%get3A_536, %get3A_537, %get3A_538] : memref<64x128x128xf32, #tpu.memory_space<vmem>>, vector<1x128x128xf32>
    %get3A_540 = vector.shape_cast %get3A_539 : vector<1x128x128xf32> to vector<128x128xf32>
    %dot_general3A_541 = arith.constant dense<0.000000e+00> : vector<80x128xf32>
    %dot_general3A_542 = tpu.matmul %squeeze3A_535, %get3A_540, %dot_general3A_541 {dimension_numbers = #tpu.dot_dimension_numbers<[1], [0], [0], [1], [0, 0, 1, 1], [], []>, transpose_lhs_hint = false} : vector<80x128xf32>, vector<128x128xf32>, vector<80x128xf32> -> vector<80x128xf32>
    %add3A_543 = arith.addf %add3A_533, %dot_general3A_542 : vector<80x128xf32>
    %slice3A_544 = vector.extract_strided_slice %dot_general3A_102 {offsets = [0, 44, 0], sizes = [80, 1, 128], strides = [1, 1, 1]} : vector<80x64x128xf32> to vector<80x1x128xf32>
    %squeeze3A_545 = vector.shape_cast %slice3A_544 : vector<80x1x128xf32> to vector<80x128xf32>
    %get3A_546 = arith.constant 44 : index
    %get3A_547 = arith.constant 0 : index
    %get3A_548 = arith.constant 0 : index
    %get3A_549 = vector.load %arg4[%get3A_546, %get3A_547, %get3A_548] : memref<64x128x128xf32, #tpu.memory_space<vmem>>, vector<1x128x128xf32>
    %get3A_550 = vector.shape_cast %get3A_549 : vector<1x128x128xf32> to vector<128x128xf32>
    %dot_general3A_551 = arith.constant dense<0.000000e+00> : vector<80x128xf32>
    %dot_general3A_552 = tpu.matmul %squeeze3A_545, %get3A_550, %dot_general3A_551 {dimension_numbers = #tpu.dot_dimension_numbers<[1], [0], [0], [1], [0, 0, 1, 1], [], []>, transpose_lhs_hint = false} : vector<80x128xf32>, vector<128x128xf32>, vector<80x128xf32> -> vector<80x128xf32>
    %add3A_553 = arith.addf %add3A_543, %dot_general3A_552 : vector<80x128xf32>
    %slice3A_554 = vector.extract_strided_slice %dot_general3A_102 {offsets = [0, 45, 0], sizes = [80, 1, 128], strides = [1, 1, 1]} : vector<80x64x128xf32> to vector<80x1x128xf32>
    %squeeze3A_555 = vector.shape_cast %slice3A_554 : vector<80x1x128xf32> to vector<80x128xf32>
    %get3A_556 = arith.constant 45 : index
    %get3A_557 = arith.constant 0 : index
    %get3A_558 = arith.constant 0 : index
    %get3A_559 = vector.load %arg4[%get3A_556, %get3A_557, %get3A_558] : memref<64x128x128xf32, #tpu.memory_space<vmem>>, vector<1x128x128xf32>
    %get3A_560 = vector.shape_cast %get3A_559 : vector<1x128x128xf32> to vector<128x128xf32>
    %dot_general3A_561 = arith.constant dense<0.000000e+00> : vector<80x128xf32>
    %dot_general3A_562 = tpu.matmul %squeeze3A_555, %get3A_560, %dot_general3A_561 {dimension_numbers = #tpu.dot_dimension_numbers<[1], [0], [0], [1], [0, 0, 1, 1], [], []>, transpose_lhs_hint = false} : vector<80x128xf32>, vector<128x128xf32>, vector<80x128xf32> -> vector<80x128xf32>
    %add3A_563 = arith.addf %add3A_553, %dot_general3A_562 : vector<80x128xf32>
    %slice3A_564 = vector.extract_strided_slice %dot_general3A_102 {offsets = [0, 46, 0], sizes = [80, 1, 128], strides = [1, 1, 1]} : vector<80x64x128xf32> to vector<80x1x128xf32>
    %squeeze3A_565 = vector.shape_cast %slice3A_564 : vector<80x1x128xf32> to vector<80x128xf32>
    %get3A_566 = arith.constant 46 : index
    %get3A_567 = arith.constant 0 : index
    %get3A_568 = arith.constant 0 : index
    %get3A_569 = vector.load %arg4[%get3A_566, %get3A_567, %get3A_568] : memref<64x128x128xf32, #tpu.memory_space<vmem>>, vector<1x128x128xf32>
    %get3A_570 = vector.shape_cast %get3A_569 : vector<1x128x128xf32> to vector<128x128xf32>
    %dot_general3A_571 = arith.constant dense<0.000000e+00> : vector<80x128xf32>
    %dot_general3A_572 = tpu.matmul %squeeze3A_565, %get3A_570, %dot_general3A_571 {dimension_numbers = #tpu.dot_dimension_numbers<[1], [0], [0], [1], [0, 0, 1, 1], [], []>, transpose_lhs_hint = false} : vector<80x128xf32>, vector<128x128xf32>, vector<80x128xf32> -> vector<80x128xf32>
    %add3A_573 = arith.addf %add3A_563, %dot_general3A_572 : vector<80x128xf32>
    %slice3A_574 = vector.extract_strided_slice %dot_general3A_102 {offsets = [0, 47, 0], sizes = [80, 1, 128], strides = [1, 1, 1]} : vector<80x64x128xf32> to vector<80x1x128xf32>
    %squeeze3A_575 = vector.shape_cast %slice3A_574 : vector<80x1x128xf32> to vector<80x128xf32>
    %get3A_576 = arith.constant 47 : index
    %get3A_577 = arith.constant 0 : index
    %get3A_578 = arith.constant 0 : index
    %get3A_579 = vector.load %arg4[%get3A_576, %get3A_577, %get3A_578] : memref<64x128x128xf32, #tpu.memory_space<vmem>>, vector<1x128x128xf32>
    %get3A_580 = vector.shape_cast %get3A_579 : vector<1x128x128xf32> to vector<128x128xf32>
    %dot_general3A_581 = arith.constant dense<0.000000e+00> : vector<80x128xf32>
    %dot_general3A_582 = tpu.matmul %squeeze3A_575, %get3A_580, %dot_general3A_581 {dimension_numbers = #tpu.dot_dimension_numbers<[1], [0], [0], [1], [0, 0, 1, 1], [], []>, transpose_lhs_hint = false} : vector<80x128xf32>, vector<128x128xf32>, vector<80x128xf32> -> vector<80x128xf32>
    %add3A_583 = arith.addf %add3A_573, %dot_general3A_582 : vector<80x128xf32>
    %slice3A_584 = vector.extract_strided_slice %dot_general3A_102 {offsets = [0, 48, 0], sizes = [80, 1, 128], strides = [1, 1, 1]} : vector<80x64x128xf32> to vector<80x1x128xf32>
    %squeeze3A_585 = vector.shape_cast %slice3A_584 : vector<80x1x128xf32> to vector<80x128xf32>
    %get3A_586 = arith.constant 48 : index
    %get3A_587 = arith.constant 0 : index
    %get3A_588 = arith.constant 0 : index
    %get3A_589 = vector.load %arg4[%get3A_586, %get3A_587, %get3A_588] : memref<64x128x128xf32, #tpu.memory_space<vmem>>, vector<1x128x128xf32>
    %get3A_590 = vector.shape_cast %get3A_589 : vector<1x128x128xf32> to vector<128x128xf32>
    %dot_general3A_591 = arith.constant dense<0.000000e+00> : vector<80x128xf32>
    %dot_general3A_592 = tpu.matmul %squeeze3A_585, %get3A_590, %dot_general3A_591 {dimension_numbers = #tpu.dot_dimension_numbers<[1], [0], [0], [1], [0, 0, 1, 1], [], []>, transpose_lhs_hint = false} : vector<80x128xf32>, vector<128x128xf32>, vector<80x128xf32> -> vector<80x128xf32>
    %add3A_593 = arith.addf %add3A_583, %dot_general3A_592 : vector<80x128xf32>
    %slice3A_594 = vector.extract_strided_slice %dot_general3A_102 {offsets = [0, 49, 0], sizes = [80, 1, 128], strides = [1, 1, 1]} : vector<80x64x128xf32> to vector<80x1x128xf32>
    %squeeze3A_595 = vector.shape_cast %slice3A_594 : vector<80x1x128xf32> to vector<80x128xf32>
    %get3A_596 = arith.constant 49 : index
    %get3A_597 = arith.constant 0 : index
    %get3A_598 = arith.constant 0 : index
    %get3A_599 = vector.load %arg4[%get3A_596, %get3A_597, %get3A_598] : memref<64x128x128xf32, #tpu.memory_space<vmem>>, vector<1x128x128xf32>
    %get3A_600 = vector.shape_cast %get3A_599 : vector<1x128x128xf32> to vector<128x128xf32>
    %dot_general3A_601 = arith.constant dense<0.000000e+00> : vector<80x128xf32>
    %dot_general3A_602 = tpu.matmul %squeeze3A_595, %get3A_600, %dot_general3A_601 {dimension_numbers = #tpu.dot_dimension_numbers<[1], [0], [0], [1], [0, 0, 1, 1], [], []>, transpose_lhs_hint = false} : vector<80x128xf32>, vector<128x128xf32>, vector<80x128xf32> -> vector<80x128xf32>
    %add3A_603 = arith.addf %add3A_593, %dot_general3A_602 : vector<80x128xf32>
    %slice3A_604 = vector.extract_strided_slice %dot_general3A_102 {offsets = [0, 50, 0], sizes = [80, 1, 128], strides = [1, 1, 1]} : vector<80x64x128xf32> to vector<80x1x128xf32>
    %squeeze3A_605 = vector.shape_cast %slice3A_604 : vector<80x1x128xf32> to vector<80x128xf32>
    %get3A_606 = arith.constant 50 : index
    %get3A_607 = arith.constant 0 : index
    %get3A_608 = arith.constant 0 : index
    %get3A_609 = vector.load %arg4[%get3A_606, %get3A_607, %get3A_608] : memref<64x128x128xf32, #tpu.memory_space<vmem>>, vector<1x128x128xf32>
    %get3A_610 = vector.shape_cast %get3A_609 : vector<1x128x128xf32> to vector<128x128xf32>
    %dot_general3A_611 = arith.constant dense<0.000000e+00> : vector<80x128xf32>
    %dot_general3A_612 = tpu.matmul %squeeze3A_605, %get3A_610, %dot_general3A_611 {dimension_numbers = #tpu.dot_dimension_numbers<[1], [0], [0], [1], [0, 0, 1, 1], [], []>, transpose_lhs_hint = false} : vector<80x128xf32>, vector<128x128xf32>, vector<80x128xf32> -> vector<80x128xf32>
    %add3A_613 = arith.addf %add3A_603, %dot_general3A_612 : vector<80x128xf32>
    %slice3A_614 = vector.extract_strided_slice %dot_general3A_102 {offsets = [0, 51, 0], sizes = [80, 1, 128], strides = [1, 1, 1]} : vector<80x64x128xf32> to vector<80x1x128xf32>
    %squeeze3A_615 = vector.shape_cast %slice3A_614 : vector<80x1x128xf32> to vector<80x128xf32>
    %get3A_616 = arith.constant 51 : index
    %get3A_617 = arith.constant 0 : index
    %get3A_618 = arith.constant 0 : index
    %get3A_619 = vector.load %arg4[%get3A_616, %get3A_617, %get3A_618] : memref<64x128x128xf32, #tpu.memory_space<vmem>>, vector<1x128x128xf32>
    %get3A_620 = vector.shape_cast %get3A_619 : vector<1x128x128xf32> to vector<128x128xf32>
    %dot_general3A_621 = arith.constant dense<0.000000e+00> : vector<80x128xf32>
    %dot_general3A_622 = tpu.matmul %squeeze3A_615, %get3A_620, %dot_general3A_621 {dimension_numbers = #tpu.dot_dimension_numbers<[1], [0], [0], [1], [0, 0, 1, 1], [], []>, transpose_lhs_hint = false} : vector<80x128xf32>, vector<128x128xf32>, vector<80x128xf32> -> vector<80x128xf32>
    %add3A_623 = arith.addf %add3A_613, %dot_general3A_622 : vector<80x128xf32>
    %slice3A_624 = vector.extract_strided_slice %dot_general3A_102 {offsets = [0, 52, 0], sizes = [80, 1, 128], strides = [1, 1, 1]} : vector<80x64x128xf32> to vector<80x1x128xf32>
    %squeeze3A_625 = vector.shape_cast %slice3A_624 : vector<80x1x128xf32> to vector<80x128xf32>
    %get3A_626 = arith.constant 52 : index
    %get3A_627 = arith.constant 0 : index
    %get3A_628 = arith.constant 0 : index
    %get3A_629 = vector.load %arg4[%get3A_626, %get3A_627, %get3A_628] : memref<64x128x128xf32, #tpu.memory_space<vmem>>, vector<1x128x128xf32>
    %get3A_630 = vector.shape_cast %get3A_629 : vector<1x128x128xf32> to vector<128x128xf32>
    %dot_general3A_631 = arith.constant dense<0.000000e+00> : vector<80x128xf32>
    %dot_general3A_632 = tpu.matmul %squeeze3A_625, %get3A_630, %dot_general3A_631 {dimension_numbers = #tpu.dot_dimension_numbers<[1], [0], [0], [1], [0, 0, 1, 1], [], []>, transpose_lhs_hint = false} : vector<80x128xf32>, vector<128x128xf32>, vector<80x128xf32> -> vector<80x128xf32>
    %add3A_633 = arith.addf %add3A_623, %dot_general3A_632 : vector<80x128xf32>
    %slice3A_634 = vector.extract_strided_slice %dot_general3A_102 {offsets = [0, 53, 0], sizes = [80, 1, 128], strides = [1, 1, 1]} : vector<80x64x128xf32> to vector<80x1x128xf32>
    %squeeze3A_635 = vector.shape_cast %slice3A_634 : vector<80x1x128xf32> to vector<80x128xf32>
    %get3A_636 = arith.constant 53 : index
    %get3A_637 = arith.constant 0 : index
    %get3A_638 = arith.constant 0 : index
    %get3A_639 = vector.load %arg4[%get3A_636, %get3A_637, %get3A_638] : memref<64x128x128xf32, #tpu.memory_space<vmem>>, vector<1x128x128xf32>
    %get3A_640 = vector.shape_cast %get3A_639 : vector<1x128x128xf32> to vector<128x128xf32>
    %dot_general3A_641 = arith.constant dense<0.000000e+00> : vector<80x128xf32>
    %dot_general3A_642 = tpu.matmul %squeeze3A_635, %get3A_640, %dot_general3A_641 {dimension_numbers = #tpu.dot_dimension_numbers<[1], [0], [0], [1], [0, 0, 1, 1], [], []>, transpose_lhs_hint = false} : vector<80x128xf32>, vector<128x128xf32>, vector<80x128xf32> -> vector<80x128xf32>
    %add3A_643 = arith.addf %add3A_633, %dot_general3A_642 : vector<80x128xf32>
    %slice3A_644 = vector.extract_strided_slice %dot_general3A_102 {offsets = [0, 54, 0], sizes = [80, 1, 128], strides = [1, 1, 1]} : vector<80x64x128xf32> to vector<80x1x128xf32>
    %squeeze3A_645 = vector.shape_cast %slice3A_644 : vector<80x1x128xf32> to vector<80x128xf32>
    %get3A_646 = arith.constant 54 : index
    %get3A_647 = arith.constant 0 : index
    %get3A_648 = arith.constant 0 : index
    %get3A_649 = vector.load %arg4[%get3A_646, %get3A_647, %get3A_648] : memref<64x128x128xf32, #tpu.memory_space<vmem>>, vector<1x128x128xf32>
    %get3A_650 = vector.shape_cast %get3A_649 : vector<1x128x128xf32> to vector<128x128xf32>
    %dot_general3A_651 = arith.constant dense<0.000000e+00> : vector<80x128xf32>
    %dot_general3A_652 = tpu.matmul %squeeze3A_645, %get3A_650, %dot_general3A_651 {dimension_numbers = #tpu.dot_dimension_numbers<[1], [0], [0], [1], [0, 0, 1, 1], [], []>, transpose_lhs_hint = false} : vector<80x128xf32>, vector<128x128xf32>, vector<80x128xf32> -> vector<80x128xf32>
    %add3A_653 = arith.addf %add3A_643, %dot_general3A_652 : vector<80x128xf32>
    %slice3A_654 = vector.extract_strided_slice %dot_general3A_102 {offsets = [0, 55, 0], sizes = [80, 1, 128], strides = [1, 1, 1]} : vector<80x64x128xf32> to vector<80x1x128xf32>
    %squeeze3A_655 = vector.shape_cast %slice3A_654 : vector<80x1x128xf32> to vector<80x128xf32>
    %get3A_656 = arith.constant 55 : index
    %get3A_657 = arith.constant 0 : index
    %get3A_658 = arith.constant 0 : index
    %get3A_659 = vector.load %arg4[%get3A_656, %get3A_657, %get3A_658] : memref<64x128x128xf32, #tpu.memory_space<vmem>>, vector<1x128x128xf32>
    %get3A_660 = vector.shape_cast %get3A_659 : vector<1x128x128xf32> to vector<128x128xf32>
    %dot_general3A_661 = arith.constant dense<0.000000e+00> : vector<80x128xf32>
    %dot_general3A_662 = tpu.matmul %squeeze3A_655, %get3A_660, %dot_general3A_661 {dimension_numbers = #tpu.dot_dimension_numbers<[1], [0], [0], [1], [0, 0, 1, 1], [], []>, transpose_lhs_hint = false} : vector<80x128xf32>, vector<128x128xf32>, vector<80x128xf32> -> vector<80x128xf32>
    %add3A_663 = arith.addf %add3A_653, %dot_general3A_662 : vector<80x128xf32>
    %slice3A_664 = vector.extract_strided_slice %dot_general3A_102 {offsets = [0, 56, 0], sizes = [80, 1, 128], strides = [1, 1, 1]} : vector<80x64x128xf32> to vector<80x1x128xf32>
    %squeeze3A_665 = vector.shape_cast %slice3A_664 : vector<80x1x128xf32> to vector<80x128xf32>
    %get3A_666 = arith.constant 56 : index
    %get3A_667 = arith.constant 0 : index
    %get3A_668 = arith.constant 0 : index
    %get3A_669 = vector.load %arg4[%get3A_666, %get3A_667, %get3A_668] : memref<64x128x128xf32, #tpu.memory_space<vmem>>, vector<1x128x128xf32>
    %get3A_670 = vector.shape_cast %get3A_669 : vector<1x128x128xf32> to vector<128x128xf32>
    %dot_general3A_671 = arith.constant dense<0.000000e+00> : vector<80x128xf32>
    %dot_general3A_672 = tpu.matmul %squeeze3A_665, %get3A_670, %dot_general3A_671 {dimension_numbers = #tpu.dot_dimension_numbers<[1], [0], [0], [1], [0, 0, 1, 1], [], []>, transpose_lhs_hint = false} : vector<80x128xf32>, vector<128x128xf32>, vector<80x128xf32> -> vector<80x128xf32>
    %add3A_673 = arith.addf %add3A_663, %dot_general3A_672 : vector<80x128xf32>
    %slice3A_674 = vector.extract_strided_slice %dot_general3A_102 {offsets = [0, 57, 0], sizes = [80, 1, 128], strides = [1, 1, 1]} : vector<80x64x128xf32> to vector<80x1x128xf32>
    %squeeze3A_675 = vector.shape_cast %slice3A_674 : vector<80x1x128xf32> to vector<80x128xf32>
    %get3A_676 = arith.constant 57 : index
    %get3A_677 = arith.constant 0 : index
    %get3A_678 = arith.constant 0 : index
    %get3A_679 = vector.load %arg4[%get3A_676, %get3A_677, %get3A_678] : memref<64x128x128xf32, #tpu.memory_space<vmem>>, vector<1x128x128xf32>
    %get3A_680 = vector.shape_cast %get3A_679 : vector<1x128x128xf32> to vector<128x128xf32>
    %dot_general3A_681 = arith.constant dense<0.000000e+00> : vector<80x128xf32>
    %dot_general3A_682 = tpu.matmul %squeeze3A_675, %get3A_680, %dot_general3A_681 {dimension_numbers = #tpu.dot_dimension_numbers<[1], [0], [0], [1], [0, 0, 1, 1], [], []>, transpose_lhs_hint = false} : vector<80x128xf32>, vector<128x128xf32>, vector<80x128xf32> -> vector<80x128xf32>
    %add3A_683 = arith.addf %add3A_673, %dot_general3A_682 : vector<80x128xf32>
    %slice3A_684 = vector.extract_strided_slice %dot_general3A_102 {offsets = [0, 58, 0], sizes = [80, 1, 128], strides = [1, 1, 1]} : vector<80x64x128xf32> to vector<80x1x128xf32>
    %squeeze3A_685 = vector.shape_cast %slice3A_684 : vector<80x1x128xf32> to vector<80x128xf32>
    %get3A_686 = arith.constant 58 : index
    %get3A_687 = arith.constant 0 : index
    %get3A_688 = arith.constant 0 : index
    %get3A_689 = vector.load %arg4[%get3A_686, %get3A_687, %get3A_688] : memref<64x128x128xf32, #tpu.memory_space<vmem>>, vector<1x128x128xf32>
    %get3A_690 = vector.shape_cast %get3A_689 : vector<1x128x128xf32> to vector<128x128xf32>
    %dot_general3A_691 = arith.constant dense<0.000000e+00> : vector<80x128xf32>
    %dot_general3A_692 = tpu.matmul %squeeze3A_685, %get3A_690, %dot_general3A_691 {dimension_numbers = #tpu.dot_dimension_numbers<[1], [0], [0], [1], [0, 0, 1, 1], [], []>, transpose_lhs_hint = false} : vector<80x128xf32>, vector<128x128xf32>, vector<80x128xf32> -> vector<80x128xf32>
    %add3A_693 = arith.addf %add3A_683, %dot_general3A_692 : vector<80x128xf32>
    %slice3A_694 = vector.extract_strided_slice %dot_general3A_102 {offsets = [0, 59, 0], sizes = [80, 1, 128], strides = [1, 1, 1]} : vector<80x64x128xf32> to vector<80x1x128xf32>
    %squeeze3A_695 = vector.shape_cast %slice3A_694 : vector<80x1x128xf32> to vector<80x128xf32>
    %get3A_696 = arith.constant 59 : index
    %get3A_697 = arith.constant 0 : index
    %get3A_698 = arith.constant 0 : index
    %get3A_699 = vector.load %arg4[%get3A_696, %get3A_697, %get3A_698] : memref<64x128x128xf32, #tpu.memory_space<vmem>>, vector<1x128x128xf32>
    %get3A_700 = vector.shape_cast %get3A_699 : vector<1x128x128xf32> to vector<128x128xf32>
    %dot_general3A_701 = arith.constant dense<0.000000e+00> : vector<80x128xf32>
    %dot_general3A_702 = tpu.matmul %squeeze3A_695, %get3A_700, %dot_general3A_701 {dimension_numbers = #tpu.dot_dimension_numbers<[1], [0], [0], [1], [0, 0, 1, 1], [], []>, transpose_lhs_hint = false} : vector<80x128xf32>, vector<128x128xf32>, vector<80x128xf32> -> vector<80x128xf32>
    %add3A_703 = arith.addf %add3A_693, %dot_general3A_702 : vector<80x128xf32>
    %slice3A_704 = vector.extract_strided_slice %dot_general3A_102 {offsets = [0, 60, 0], sizes = [80, 1, 128], strides = [1, 1, 1]} : vector<80x64x128xf32> to vector<80x1x128xf32>
    %squeeze3A_705 = vector.shape_cast %slice3A_704 : vector<80x1x128xf32> to vector<80x128xf32>
    %get3A_706 = arith.constant 60 : index
    %get3A_707 = arith.constant 0 : index
    %get3A_708 = arith.constant 0 : index
    %get3A_709 = vector.load %arg4[%get3A_706, %get3A_707, %get3A_708] : memref<64x128x128xf32, #tpu.memory_space<vmem>>, vector<1x128x128xf32>
    %get3A_710 = vector.shape_cast %get3A_709 : vector<1x128x128xf32> to vector<128x128xf32>
    %dot_general3A_711 = arith.constant dense<0.000000e+00> : vector<80x128xf32>
    %dot_general3A_712 = tpu.matmul %squeeze3A_705, %get3A_710, %dot_general3A_711 {dimension_numbers = #tpu.dot_dimension_numbers<[1], [0], [0], [1], [0, 0, 1, 1], [], []>, transpose_lhs_hint = false} : vector<80x128xf32>, vector<128x128xf32>, vector<80x128xf32> -> vector<80x128xf32>
    %add3A_713 = arith.addf %add3A_703, %dot_general3A_712 : vector<80x128xf32>
    %slice3A_714 = vector.extract_strided_slice %dot_general3A_102 {offsets = [0, 61, 0], sizes = [80, 1, 128], strides = [1, 1, 1]} : vector<80x64x128xf32> to vector<80x1x128xf32>
    %squeeze3A_715 = vector.shape_cast %slice3A_714 : vector<80x1x128xf32> to vector<80x128xf32>
    %get3A_716 = arith.constant 61 : index
    %get3A_717 = arith.constant 0 : index
    %get3A_718 = arith.constant 0 : index
    %get3A_719 = vector.load %arg4[%get3A_716, %get3A_717, %get3A_718] : memref<64x128x128xf32, #tpu.memory_space<vmem>>, vector<1x128x128xf32>
    %get3A_720 = vector.shape_cast %get3A_719 : vector<1x128x128xf32> to vector<128x128xf32>
    %dot_general3A_721 = arith.constant dense<0.000000e+00> : vector<80x128xf32>
    %dot_general3A_722 = tpu.matmul %squeeze3A_715, %get3A_720, %dot_general3A_721 {dimension_numbers = #tpu.dot_dimension_numbers<[1], [0], [0], [1], [0, 0, 1, 1], [], []>, transpose_lhs_hint = false} : vector<80x128xf32>, vector<128x128xf32>, vector<80x128xf32> -> vector<80x128xf32>
    %add3A_723 = arith.addf %add3A_713, %dot_general3A_722 : vector<80x128xf32>
    %slice3A_724 = vector.extract_strided_slice %dot_general3A_102 {offsets = [0, 62, 0], sizes = [80, 1, 128], strides = [1, 1, 1]} : vector<80x64x128xf32> to vector<80x1x128xf32>
    %squeeze3A_725 = vector.shape_cast %slice3A_724 : vector<80x1x128xf32> to vector<80x128xf32>
    %get3A_726 = arith.constant 62 : index
    %get3A_727 = arith.constant 0 : index
    %get3A_728 = arith.constant 0 : index
    %get3A_729 = vector.load %arg4[%get3A_726, %get3A_727, %get3A_728] : memref<64x128x128xf32, #tpu.memory_space<vmem>>, vector<1x128x128xf32>
    %get3A_730 = vector.shape_cast %get3A_729 : vector<1x128x128xf32> to vector<128x128xf32>
    %dot_general3A_731 = arith.constant dense<0.000000e+00> : vector<80x128xf32>
    %dot_general3A_732 = tpu.matmul %squeeze3A_725, %get3A_730, %dot_general3A_731 {dimension_numbers = #tpu.dot_dimension_numbers<[1], [0], [0], [1], [0, 0, 1, 1], [], []>, transpose_lhs_hint = false} : vector<80x128xf32>, vector<128x128xf32>, vector<80x128xf32> -> vector<80x128xf32>
    %add3A_733 = arith.addf %add3A_723, %dot_general3A_732 : vector<80x128xf32>
    %slice3A_734 = vector.extract_strided_slice %dot_general3A_102 {offsets = [0, 63, 0], sizes = [80, 1, 128], strides = [1, 1, 1]} : vector<80x64x128xf32> to vector<80x1x128xf32>
    %squeeze3A_735 = vector.shape_cast %slice3A_734 : vector<80x1x128xf32> to vector<80x128xf32>
    %get3A_736 = arith.constant 63 : index
    %get3A_737 = arith.constant 0 : index
    %get3A_738 = arith.constant 0 : index
    %get3A_739 = vector.load %arg4[%get3A_736, %get3A_737, %get3A_738] : memref<64x128x128xf32, #tpu.memory_space<vmem>>, vector<1x128x128xf32>
    %get3A_740 = vector.shape_cast %get3A_739 : vector<1x128x128xf32> to vector<128x128xf32>
    %dot_general3A_741 = arith.constant dense<0.000000e+00> : vector<80x128xf32>
    %dot_general3A_742 = tpu.matmul %squeeze3A_735, %get3A_740, %dot_general3A_741 {dimension_numbers = #tpu.dot_dimension_numbers<[1], [0], [0], [1], [0, 0, 1, 1], [], []>, transpose_lhs_hint = false} : vector<80x128xf32>, vector<128x128xf32>, vector<80x128xf32> -> vector<80x128xf32>
    %add3A_743 = arith.addf %add3A_733, %dot_general3A_742 : vector<80x128xf32>
    %get3A_744 = arith.constant 0 : index
    %get3A_745 = arith.constant 0 : index
    %get3A_746 = vector.load %arg5[%get3A_744, %get3A_745] : memref<1x128xf32, #tpu.memory_space<vmem>>, vector<1x128xf32>
    %add3A_747 = vector.broadcast %get3A_746 : vector<1x128xf32> to vector<80x128xf32>
    %add3A_748 = arith.addf %add3A_743, %add3A_747 : vector<80x128xf32>
    %swap3A = arith.constant 0 : index
    %swap3A_749 = arith.constant 0 : index
    %swap3A_750 = vector.load %arg9[%swap3A, %swap3A_749] : memref<80x128xf32, #tpu.memory_space<vmem>>, vector<80x128xf32>
    tpu.vector_store %arg9[%swap3A, %swap3A_749], %add3A_748 {strides = array<i32>} : memref<80x128xf32, #tpu.memory_space<vmem>>, vector<80x128xf32>,
    %get3A_751 = arith.constant 0 : index
    %get3A_752 = arith.constant 0 : index
    %get3A_753 = vector.load %arg6[%get3A_751, %get3A_752] : memref<80x128xf32, #tpu.memory_space<vmem>>, vector<80x128xf32>
    %get3A_754 = arith.constant 0 : index
    %get3A_755 = arith.constant 0 : index
    %get3A_756 = vector.load %arg7[%get3A_754, %get3A_755] : memref<128x128xf32, #tpu.memory_space<vmem>>, vector<128x128xf32>
    %dot_general3A_757 = arith.constant dense<0.000000e+00> : vector<80x128xf32>
    %dot_general3A_758 = tpu.matmul %get3A_753, %get3A_756, %dot_general3A_757 {dimension_numbers = #tpu.dot_dimension_numbers<[1], [1], [0], [0], [0, 0, 1, 0], [], []>, transpose_lhs_hint = false} : vector<80x128xf32>, vector<128x128xf32>, vector<80x128xf32> -> vector<80x128xf32>
    %get3A_759 = arith.constant 0 : index
    %get3A_760 = arith.constant 0 : index
    %get3A_761 = vector.load %arg8[%get3A_759, %get3A_760] : memref<1x128xf32, #tpu.memory_space<vmem>>, vector<1x128xf32>
    %add3A_762 = vector.broadcast %get3A_761 : vector<1x128xf32> to vector<80x128xf32>
    %add3A_763 = arith.addf %dot_general3A_758, %add3A_762 : vector<80x128xf32>
    %swap3A_764 = arith.constant 0 : index
    %swap3A_765 = arith.constant 0 : index
    %swap3A_766 = vector.load %arg10[%swap3A_764, %swap3A_765] : memref<80x128xf32, #tpu.memory_space<vmem>>, vector<80x128xf32>
    tpu.vector_store %arg10[%swap3A_764, %swap3A_765], %add3A_763 {strides = array<i32>} : memref<80x128xf32, #tpu.memory_space<vmem>>, vector<80x128xf32>,
    return
  }
  func.func @transform_0(%arg0: i32) -> (i32, i32, i32) {
    %c0_i32 = arith.constant 0 : i32
    %c0_i32_0 = arith.constant 0 : i32
    %c0_i32_1 = arith.constant 0 : i32
    return %arg0, %c0_i32, %c0_i32_0 : i32, i32, i32
  }
  func.func @transform_1(%arg0: i32) -> (i32, i32) {
    %c0_i32 = arith.constant 0 : i32
    %c0_i32_0 = arith.constant 0 : i32
    return %arg0, %c0_i32 : i32, i32
  }
  func.func @transform_2(%arg0: i32) -> (i32, i32) {
    %c0_i32 = arith.constant 0 : i32
    %c0_i32_0 = arith.constant 0 : i32
    return %arg0, %c0_i32 : i32, i32
  }
  func.func @transform_3(%arg0: i32) -> (i32, i32, i32) {
    %c0_i32 = arith.constant 0 : i32
    %c0_i32_0 = arith.constant 0 : i32
    %c0_i32_1 = arith.constant 0 : i32
    %c0_i32_2 = arith.constant 0 : i32
    return %c0_i32, %c0_i32_0, %c0_i32_1 : i32, i32, i32
  }
  func.func @transform_4(%arg0: i32) -> (i32, i32) {
    %c0_i32 = arith.constant 0 : i32
    %c0_i32_0 = arith.constant 0 : i32
    %c0_i32_1 = arith.constant 0 : i32
    return %c0_i32, %c0_i32_0 : i32, i32
  }
  func.func @transform_5(%arg0: i32) -> (i32, i32) {
    %c0_i32 = arith.constant 0 : i32
    %c0_i32_0 = arith.constant 0 : i32
    return %arg0, %c0_i32 : i32, i32
  }
  func.func @transform_6(%arg0: i32) -> (i32, i32) {
    %c0_i32 = arith.constant 0 : i32
    %c0_i32_0 = arith.constant 0 : i32
    %c0_i32_1 = arith.constant 0 : i32
    return %c0_i32, %c0_i32_0 : i32, i32
  }
  func.func @transform_7(%arg0: i32) -> (i32, i32) {
    %c0_i32 = arith.constant 0 : i32
    %c0_i32_0 = arith.constant 0 : i32
    %c0_i32_1 = arith.constant 0 : i32
    return %c0_i32, %c0_i32_0 : i32, i32
  }
  func.func @transform_8(%arg0: i32) -> (i32, i32) {
    %c0_i32 = arith.constant 0 : i32
    %c0_i32_0 = arith.constant 0 : i32
    return %arg0, %c0_i32 : i32, i32
  }
  func.func @transform_9(%arg0: i32) -> (i32, i32) {
    %c0_i32 = arith.constant 0 : i32
    %c0_i32_0 = arith.constant 0 : i32
    return %arg0, %c0_i32 : i32, i32
  }
}

</mosaic_0001>

<sc_bundles>
// kernel: kernel.5.cloned.1.call-start
scs
__scs_entry_jumppad:
0x0: {  	(pc) =	sbr.rel $0x88, $3  }
0x1: {  	(tag) =	ssettag $0x0;
	lr =	simm.s32 $0x1  }
0x2: {  	[smem:$0x3F9B] =	sst lr;
	_ =	strace $0xD0000000  }
0x3: {  	_ = 	snop  }
0x4: {  	_ = 	snop  }
0x5: {  	_ = 	snop  }
0x6: {  	_ = 	snop  }
0x7: {  	_ = 	snop  }
__scs_overlays_trampoline_lowered:
0x8: {  	[smem:$0x3FAA] =	sst s0  }
0x9: {  	[smem:$0x3FAB] =	sst s1  }
0xa: {  	[smem:$0x3FAC] =	sst s2  }
0xb: {  	[smem:$0x3FAD] =	sst s3  }
0xc: {  	[smem:$0x3FAE] =	sst s4  }
0xd: {  	[smem:$0x3FAF] =	sst s5  }
0xe: {  	[smem:$0x3FB0] =	sst s6  }
0xf: {  	[smem:$0x3FB1] =	sst s7  }
0x10: {  	[smem:$0x3FB2] =	sst s8  }
0x11: {  	[smem:$0x3FB3] =	sst s9;
	s0 =	simm.s32 @!p0 $0x0  }
0x12: {  	s1 =	sld [smem:$0x3F99];
	s0 =	simm.s32 @p0 $0x1  }
0x13: {  	[smem:$0x3FB4] =	sst s0;
	s0 =	simm.s32 @!p1 $0x0  }
0x14: {  	s2 =	sld [smem:$0x3F98];
	s0 =	simm.s32 @p1 $0x1  }
0x15: {  	[smem:$0x3FB5] =	sst s0;
	s0 =	simm.s32 @!p2 $0x0  }
0x16: {  	s3 =	sld [smem:$0x3FDB];
	s0 =	simm.s32 @p2 $0x1  }
0x17: {  	s4 =	simm.s32 $0x1BF5;
	[smem:$0x3FB7] =	sst s0  }
0x18: {  	s0 =	sld [smem:$0x3F9A];
	_ =	swait.ge [sflag:s4], $0x0  }
0x19: {  	s7 =	sld [smem:$0x3F9B]  }
0x1a: {  	s8 =	sadd.s32 $0xFFFFE003, lr  }
0x1b: {  	s9 =	sadd.s32 $0xFFFFFEF7, lr;
	s5 =	simm.s32 $0xFFFFFFFF;
	p2 =	slt.u32 s8, $0xFFFFF086  }
0x1c: {  	p1 =	slt.u32 s9, $0xF7A;
	s5 =	simm.s32 @!p2 $0x0  }
0x1d: {  	s5 =	simm.s32 @p1 $0x1;
	p0 =	seq.s32 s7, s2  }
0x1e: {  	s7 =	smul.u32 @!p0 $0xF7A, s2;
	p2 =	seq.s32 @!p0 s5, $0x0  }
0x1f: {  	s9 =	smul.u32 $0xF7A, s1;
	s8 =	simm.s32 @!p0 $0x1BF5;
	p2 =	por !p2, p0  }
0x20: {  	[sflag:s8] =	ssyncset.s32 @!p0 $0xFFFFF086;
	s6 =	sadd.s32 @!p0 s3, s7;
	s7 =	simm.s32 @!p0 $0x108  }
0x21: {  	s3 =	sadd.s32 s3, s9;
	s6 =	sadd.s32 @!p0 $0x88, s6;
	s7 =	simm.s32 @p2 $0x1082  }
0x22: {  	[simem:s7], [sflag:s8] =	dma.local @!p0 [hbm:s6], $0xF7A  }
0x23: {  	s9 =	sor.u32 $0xD0000000, s2;
	s6 =	simm.s32 $0x108;
	_ =	swait.ge @!p0 [sflag:s8], $0x0  }
0x24: {  	s3 =	sadd.s32 $0x88, s3;
	s6 =	simm.s32 @!p1 $0x1082;
	[sflag:s4] =	ssyncset.s32 $0xFFFFF086  }
0x25: {  	[simem:s6], [sflag:s4] =	dma.local [hbm:s3], $0xF7A  }
0x26: {  	[smem:$0x3F9B] =	sst s1;
	(tag) =	ssettag s2;
	_ =	strace s9  }
0x27: {  	s1 =	sld [smem:$0x3FAB]  }
0x28: {  	s2 =	sld [smem:$0x3FAC]  }
0x29: {  	s4 =	sld [smem:$0x3FAE]  }
0x2a: {  	p0 =	seq.s32 s5, $0x0;
	s5 =	sld [smem:$0x3FAF]  }
0x2b: {  	s6 =	sld [smem:$0x3FB0]  }
0x2c: {  	s7 =	sld [smem:$0x3FB1]  }
0x2d: {  	s3 =	simm.s32 $0x108;
	s8 =	sld [smem:$0x3FB2]  }
0x2e: {  	s3 =	simm.s32 @!p0 $0x1082;
	s9 =	sld [smem:$0x3FB3]  }
0x2f: {  	lr =	sadd.s32 s0, s3;
	s0 =	sld [smem:$0x3FAA]  }
0x30: {  	s3 =	sld [smem:$0x3FAD]  }
0x31: {  	[smem:$0x3FB6] =	sst s10  }
0x32: {  	s10 =	sld [smem:$0x3FB4];
	_ =	sdelay $0x3  }
0x33: {  	p0 =	seq.s32 s10, $0x1;
	s10 =	sld [smem:$0x3FB6];
	_ =	sdelay $0x3  }
0x34: {  	[smem:$0x3FB6] =	sst s10  }
0x35: {  	s10 =	sld [smem:$0x3FB5];
	_ =	sdelay $0x3  }
0x36: {  	p1 =	seq.s32 s10, $0x1;
	s10 =	sld [smem:$0x3FB6];
	_ =	sdelay $0x3  }
0x37: {  	[smem:$0x3FB6] =	sst s10  }
0x38: {  	s10 =	sld [smem:$0x3FB7]  }
0x39: {  	_ = 	snop;
	(pc) =	sbr.ind lr, $3  }
0x3a: {  	_ = 	snop  }
0x3b: {  	_ = 	snop  }
0x3c: {  	p2 =	seq.s32 s10, $0x1;
	s10 =	sld [smem:$0x3FB6]  }
0x3d: {  	_ =	shalt  }
0x3e: {  	_ =	shalt  }
0x3f: {  	_ =	shalt  }
0x40: {  	_ =	shalt  }
0x41: {  	_ =	shalt  }
0x42: {  	_ =	shalt  }
0x43: {  	_ =	shalt  }
0x44: {  	_ =	shalt  }
0x45: {  	_ =	shalt  }
0x46: {  	_ =	shalt  }
0x47: {  	_ =	shalt  }
0x48: {  	_ =	shalt  }
0x49: {  	_ =	shalt  }
0x4a: {  	_ =	shalt  }
0x4b: {  	_ =	shalt  }
0x4c: {  	_ =	shalt  }
0x4d: {  	_ =	shalt  }
0x4e: {  	_ =	shalt  }
0x4f: {  	_ =	shalt  }
0x50: {  	_ =	shalt  }
0x51: {  	_ =	shalt  }
0x52: {  	_ =	shalt  }
0x53: {  	_ =	shalt  }
0x54: {  	_ =	shalt  }
0x55: {  	_ =	shalt  }
0x56: {  	_ =	shalt  }
0x57: {  	_ =	shalt  }
0x58: {  	_ =	shalt  }
0x59: {  	_ =	shalt  }
0x5a: {  	_ =	shalt  }
0x5b: {  	_ =	shalt  }
0x5c: {  	_ =	shalt  }
0x5d: {  	_ =	shalt  }
0x5e: {  	_ =	shalt  }
0x5f: {  	_ =	shalt  }
0x60: {  	_ =	shalt  }
0x61: {  	_ =	shalt  }
0x62: {  	_ =	shalt  }
0x63: {  	_ =	shalt  }
0x64: {  	_ =	shalt  }
0x65: {  	_ =	shalt  }
0x66: {  	_ =	shalt  }
0x67: {  	_ =	shalt  }
0x68: {  	_ =	shalt  }
0x69: {  	_ =	shalt  }
0x6a: {  	_ =	shalt  }
0x6b: {  	_ =	shalt  }
0x6c: {  	_ =	shalt  }
0x6d: {  	_ =	shalt  }
0x6e: {  	_ =	shalt  }
0x6f: {  	_ =	shalt  }
0x70: {  	_ =	shalt  }
0x71: {  	_ =	shalt  }
0x72: {  	_ =	shalt  }
0x73: {  	_ =	shalt  }
0x74: {  	_ =	shalt  }
0x75: {  	_ =	shalt  }
0x76: {  	_ =	shalt  }
0x77: {  	_ =	shalt  }
0x78: {  	_ =	shalt  }
0x79: {  	_ =	shalt  }
0x7a: {  	_ =	shalt  }
0x7b: {  	_ =	shalt  }
0x7c: {  	_ =	shalt  }
0x7d: {  	_ =	shalt  }
0x7e: {  	_ =	shalt  }
0x7f: {  	_ =	shalt  }
0x80: {  	_ =	shalt  }
0x81: {  	_ =	shalt  }
0x82: {  	_ =	shalt  }
0x83: {  	_ =	shalt  }
0x84: {  	_ =	shalt  }
0x85: {  	_ =	shalt  }
0x86: {  	_ =	shalt  }
0x87: {  	_ =	shalt  }
.Lfunc_end0:
.L_simem_size_0:
called_computation_lowered:
.L_overlay_start_0:
0x88: {  	s2 =	sld [smem:$0x3FD9]  }
0x89: {  	s3 =	sld [smem:$0x3FFE];
	_ =	sdelay $0x1  }
0x8a: {  	s1 =	srdreg.scid  }
0x8b: {  	s0 =	sand.u32 $0x1, s1  }
0x8c: {  	s14 =	sshll.u32 s0, $0xA;
	s2 =	sadd.s32 s3, s2  }
0x8d: {  	s2 =	sadd.s32 s2, s14  }
0x8e: {  	[smem:$0x3FC2] =	sst s2  }
0x8f: {  	_ = 	snop  }
0x90: {  	s2 =	sld [smem:$0x3FD0];
	_ =	sdelay $0x2  }
0x91: {  	s15 =	simm.s32 $0xA;
	s4 =	simm.s32 $0x10  }
0x92: {  	[smem:s4], [sflag:s15] =	dma.local [hbm:s2], $0x1  }
0x93: {  	_ =	swait.eq [sflag:s15], $0x1  }
0x94: {  	[sflag:s15] =	ssyncset.done $0x0  }
0x95: {  	[sflag:s15] =	ssyncadd.s32 $0xFFFFFFFF  }
0x96: {  	s16 =	sld [smem:$0x10];
	(tm) =	ssettm $0x1  }
0x97: {  	s17 =	sld [smem:$0x3FFB];
	_ =	sdelay $0x3  }
0x98: {  	_ =	strace s17  }
0x99: {  	s3 =	sld [smem:$0x3FFC];
	_ =	sdelay $0x3  }
0x9a: {  	_ =	strace s3  }
0x9b: {  	s3 =	sld [smem:$0x3FFD];
	_ =	sdelay $0x3  }
0x9c: {  	_ =	strace s3  }
0x9d: {  	_ =	strace $0x8FFFFFFF  }
0x9e: {  	s18 =	sld [smem:$0x3FDB];
	_ =	sdelay $0x1  }
0x9f: {  	s19 =	simm.s32 $_scs_section_size  }
0xa0: {  	s5 =	simm.s32 $_size__tile_overlayer_lowered;
	s6 =	simm.s32 $_tile_overlayer_lowered  }
0xa1: {  	s22 =	simm.s32 $0x1BFF;
	s21 =	sshll.u32 s6, $0x1;
	s3 =	sadd.s32 s19, s18  }
0xa2: {  	s7 =	simm.s32 $0x0;
	s20 =	sshll.u32 s5, $0x1;
	s5 =	sadd.s32 s21, s3  }
0xa3: {  	[timem:s7], [sflag:s22] =	dma.local [hbm:s5], s20  }
0xa4: {  	_ =	swait.ge [sflag:s22], s20  }
0xa5: {  	s4 =	ssub.s32 $0x0, s20;
	[sflag:s22] =	ssyncset.done $0x0  }
0xa6: {  	[sflag:s22] =	ssyncadd.s32 s4;
	_ =	sdelay $0x1  }
0xa7: {  	s23 =	simm.s32 $0x1B8B  }
0xa8: {  	_ =	swait.ge [sflag:s23], $0x1  }
0xa9: {  	[sflag:s23] =	ssyncset.done $0x0  }
0xaa: {  	s25 =	simm.s32 $0x1B8E;
	s24 =	sld [smem:$0x3FFE];
	[sflag:s23] =	ssyncadd.s32 $0xFFFFFFFF  }
0xab: {  	s26 =	simm.s32 $execute0_lowered;
	[smem:$0x3FD2] =	sst s25  }
0xac: {  	s5 =	sshll.u32 s26, $0x1;
	_ =	strace $0x80000046;
	[dreg:$0x1] =	wrdreg $0xFFFFFFFF  }
0xad: {  	s28 =	simm.s32 $_size_execute0_lowered;
	s3 =	sadd.s32 s3, s5;
	[dreg:$0x0] =	wrdreg $0x0  }
0xae: {  	s5 =	sshll.u32 s28, $0x1;
	[dreg:$0x2] =	wrdreg s3  }
0xaf: {  	[dreg:$0x3] =	wrdreg s5  }
0xb0: {  	[dreg:$0x4] =	wrdreg $0xC0  }
0xb1: {  	_ =	task [dreg:s7], $0x5FFFF  }
0xb2: {  	[dreg:$0x1] =	wrdreg $0xFFFFFFFF  }
0xb3: {  	[dreg:$0x0] =	wrdreg $0x60  }
0xb4: {  	[dreg:$0x2] =	wrdreg s16  }
0xb5: {  	[dreg:$0x3] =	wrdreg s24  }
0xb6: {  	[dreg:$0x4] =	wrdreg $0x9  }
0xb7: {  	_ =	task.clear_ibuf [dreg:s7], $0x5FFFF;
	_ =	strace $0x90000046  }
0xb8: {  	s29 =	simm.s32 $0x9;
	_ =	strace $0x80000048  }
0xb9: {  	_ =	swait.ge [sflag:s29], $0x1  }
0xba: {  	[sflag:s29] =	ssyncadd.s32 $0xFFFFFFFF  }
0xbb: {  	_ =	strace $0x90000048  }
0xbc: {  	_ =	sfence  }
0xbd: {  	s30 =	sld [smem:$0x0];
	_ =	sdelay $0x2  }
0xbe: {  	s31 =	sshll.u32 s1, $0xD;
	s1 =	sshrl.u32 s1, $0x2  }
0xbf: {  	s3 =	sand.u32 $0x4000, s31;
	s1 =	sadd.s32 s1, s30  }
0xc0: {  	s0 =	sor.u32 s3, s0;
	s1 =	sshll.u32 s1, $0x11  }
0xc1: {  	s0 =	sor.u32 s1, s0  }
0xc2: {  	s0 =	sadd.s32 $0x8F2B, s0  }
0xc3: {  	[sflag:s0] =	ssyncadd.remote.s32 $0x1  }
0xc4: {  	_ =	sfence.sel $0xFFFF  }
0xc5: {  	[dreg:$0x0] =	wrdreg $0xFFFFFFFF;
	(pc) =	sbr.abs _section_cstart, $3  }
0xc6: {  	[dreg:$0x1] =	wrdreg $0xFFFFFFFF  }
0xc7: {  	_ =	task.clear_ibuf [dreg:s7], $0x2FFFF;
	_ =	strace $0x9FFFFFFF  }
0xc8: {  	(tm) =	ssettm $0x7FFFFFFF  }
0xc9: {  	_ =	shalt  }
tec
execute0_lowered:
.L_overlay_start_1:
0x0: {  	(tag) =	ssettag $0x1  }
0x1: {  	s0 =	rddreg [dreg:$0x0]  }
0x2: {  	s1 =	rddreg [dreg:$0x1];
	s5 =	stileid.u32  }
0x3: {  	s3 =	srdreg.scid;
	s2 =	simm.s32 $0x0;
	s18 =	simm.s32 $0x7780  }
0x4: {  	s29 =	simm.s32 $0xC780;
	s11 =	simm.s32 $0x11780;
	s28 =	simm.s32 $0x18F80  }
0x5: {  	s30 =	simm.s32 $0x19780;
	s31 =	simm.s32 $0x19F80;
	s9 =	simm.s32 $0x4  }
0x6: {  	s10 =	simm.s32 $0x5;
	s12 =	simm.s32 $0x6;
	s13 =	simm.s32 $0x7  }
0x7: {  	s14 =	simm.s32 $0x8;
	s15 =	simm.s32 $0x9;
	s16 =	simm.s32 $0xA  }
0x8: {  	s19 =	simm.s32 $0x0;
	s4 =	sand.u32 $0x1, s3;
	s22 =	sshll.u32 s5, $0x1  }
0x9: {  	[smem:$0x7FF] =	sst s2;
	s5 =	smul.u32 $0x9C400, s5;
	s3 =	sor.u32 s4, s22  }
0xa: {  	_ =	strace $0x80000047;
	s6 =	ssub.s32 $0x2, s4;
	s4 =	smul.u32 $0x4E200, s4  }
0xb: {  	s22 =	simm.s32 $0x16780;
	s7 =	smul.u32 $0x2710, s3;
	s3 =	sadd.s32 $0x2A600, s1  }
0xc: {  	s8 =	sshrl.u32 s6, $0x1;
	s1 =	sadd.s32 s5, s1;
	s5 =	simm.s32 $0x2  }
0xd: {  	s23 =	ssub.s32 s6, s8;
	s26 =	sadd.s32 s4, s1;
	s8 =	simm.s32 $0x2780  }
.Ltmp0:
0xe: {  	s1 =	simm.s32 $0x1AF80;
	s4 =	simm.s32 $0x1;
	(pc) =	sbr.rel .LBB2_1-.Ltmp0, $4  }
0xf: {  	s24 =	sshrl.u32 s7, $0x3;
	s25 =	smax.u32 s23, $0x1;
	s6 =	sadd.s32 $0x78800, s26  }
0x10: {  	v2 =	vlaneseq.u32;
	s23 =	simm.s32 $0x16F80;
	s26 =	simm.s32 $0x18780;
	s7 =	simm.s32 $0x3  }
0x11: {  	vm0 =	vmmov $0xffff;
	v1 =	vshrl.u32 v2, $0x3;
	s0 =	sadd.s32 s0, s24;
	[dreg:$0x4] =	wrdreg s25;
	s24 =	simm.s32 $0x17780  }
0x12: {  	v0 =	vand.u32 $0x7, v2;
	v2 =	vor.u32 $0x8, v2;
	v1 =	vmul.u32 $0x8, v1;
	s25 =	simm.s32 $0x17F80;
	[dreg:$0x3] =	wrdreg s0;
	s0 =	simm.s32 $0x1A780  }
.LBB2_3:
0x13: {  	_ =	swait.ge [sflag:s13], $0x5000  }
0x14: {  	[sflag:s13] =	ssyncset.done $0x0  }
0x15: {  	[sflag:s13] =	ssyncadd.s32 $0xFFFFB000  }
0x16: {  	_ =	swait.ge [sflag:s14], $0x5000  }
0x17: {  	[sflag:s14] =	ssyncset.done $0x0  }
0x18: {  	[sflag:s14] =	ssyncadd.s32 $0xFFFFB000  }
0x19: {  	_ =	swait.ge [sflag:s15], $0x5000  }
0x1a: {  	[sflag:s15] =	ssyncset.done $0x0  }
0x1b: {  	[sflag:s15] =	ssyncadd.s32 $0xFFFFB000  }
0x1c: {  	_ =	swait.ge [sflag:s16], $0x5000  }
0x1d: {  	[sflag:s16] =	ssyncset.done $0x0  }
0x1e: {  	[sflag:s16] =	ssyncadd.s32 $0xFFFFB000  }
.LBB2_5:
0x1f: {  	s19 =	rddreg [dreg:$0x5]  }
0x20: {  	s17 =	rddreg [dreg:$0x4];
	s19 =	sadd.s32 $0x1, s19  }
0x21: {  	p0 =	sne.s32 s19, s17  }
.Ltmp1:
0x22: {  	_ = 	snop;
	(pc) =	sbr.rel @!p0 .LBB2_6-.Ltmp1, $1  }
0x23: {  	_ =	sdelay $0x3  }
.LBB2_1:
0x24: {  	[dreg:$0x5] =	wrdreg s19  }
0x25: {  	s17 =	rddreg [dreg:$0x3];
	s21 =	simm.s32 $0xB  }
0x26: {  	[tilespmem:s2], [sflag:$0xB] =	stream.linear.gather [hbm4b:s17+s2], $0x2710, $0x38;
	[tilespmem:$0x1B780] =	vst v63  }
0x27: {  	_ =	swait.ge [sflag:s21], $0x2710  }
0x28: {  	[sflag:s21] =	ssyncset.done $0x0  }
0x29: {  	[sflag:s21] =	ssyncadd.s32 $0xFFFFD8F0  }
0x2a: {  	v3 =	vld [tilespmem:$0x0];
	_ =	sdelay $0x4  }
0x2b: {  	v4 =	vshll.u32 v3, $0x1  }
0x2c: {  	v3 =	vand.u32 $0x7, v3;
	v4 =	vand.u32 $0xFFFFFFF0, v4  }
0x2d: {  	v3 =	vor.u32 v3, v4  }
0x2e: {  	v4 =	vperm.xlane v3, v0;
	_ =	sdelay $0x1  }
0x2f: {  	v3 =	vperm.xlane v3, v2;
	v4 =	vadd.s32 v1, v4;
	_ =	sdelay $0x1  }
0x30: {  	v3 =	vadd.s32 v1, v3;
	_ =	sdelay $0x2  }
0x31: {  	[tilespmem:s8], [sflag:$0x1] =	stream.indirect_vreg.gather [hbm4b:s3+s2], $0x80, v4, vm0, $0xb8;
	[tilespmem:$0x1B780] =	vst v63  }
0x32: {  	s19 =	simm.s32 $0x2F80  }
0x33: {  	[tilespmem:s19], [sflag:$0x1] =	stream.indirect_vreg.gather [hbm4b:s3+s2], $0x80, v3, vm0, $0xb8;
	[tilespmem:$0x1B780] =	vst v63  }
0x34: {  	v3 =	vld [tilespmem:$0x10];
	_ =	sdelay $0x4  }
0x35: {  	v40 =	vshll.u32 v3, $0x1  }
0x36: {  	v3 =	vand.u32 $0x7, v3;
	v4 =	vand.u32 $0xFFFFFFF0, v40  }
0x37: {  	v3 =	vor.u32 v3, v4  }
0x38: {  	v4 =	vperm.xlane v3, v0;
	_ =	sdelay $0x1  }
0x39: {  	v3 =	vperm.xlane v3, v2;
	v4 =	vadd.s32 v1, v4;
	_ =	sdelay $0x1  }
0x3a: {  	v3 =	vadd.s32 v1, v3;
	_ =	sdelay $0x1  }
0x3b: {  	s20 =	simm.s32 $0x3780  }
0x3c: {  	[tilespmem:s20], [sflag:$0x1] =	stream.indirect_vreg.gather [hbm4b:s3+s2], $0x80, v4, vm0, $0xb8;
	[tilespmem:$0x1B780] =	vst v63  }
0x3d: {  	s21 =	simm.s32 $0x3F80  }
0x3e: {  	[tilespmem:s21], [sflag:$0x1] =	stream.indirect_vreg.gather [hbm4b:s3+s2], $0x80, v3, vm0, $0xb8;
	[tilespmem:$0x1B780] =	vst v63  }
0x3f: {  	v3 =	vld [tilespmem:$0x20];
	_ =	sdelay $0x4  }
0x40: {  	v41 =	vshll.u32 v3, $0x1  }
0x41: {  	v3 =	vand.u32 $0x7, v3;
	v4 =	vand.u32 $0xFFFFFFF0, v41  }
0x42: {  	v3 =	vor.u32 v3, v4  }
0x43: {  	v4 =	vperm.xlane v3, v0;
	_ =	sdelay $0x1  }
0x44: {  	v3 =	vperm.xlane v3, v2;
	v4 =	vadd.s32 v1, v4;
	_ =	sdelay $0x1  }
0x45: {  	v3 =	vadd.s32 v1, v3;
	_ =	sdelay $0x1  }
0x46: {  	s19 =	simm.s32 $0x4780  }
0x47: {  	[tilespmem:s19], [sflag:$0x1] =	stream.indirect_vreg.gather [hbm4b:s3+s2], $0x80, v4, vm0, $0xb8;
	[tilespmem:$0x1B780] =	vst v63  }
0x48: {  	s20 =	simm.s32 $0x4F80  }
0x49: {  	[tilespmem:s20], [sflag:$0x1] =	stream.indirect_vreg.gather [hbm4b:s3+s2], $0x80, v3, vm0, $0xb8;
	[tilespmem:$0x1B780] =	vst v63  }
0x4a: {  	v3 =	vld [tilespmem:$0x30];
	_ =	sdelay $0x4  }
0x4b: {  	v42 =	vshll.u32 v3, $0x1  }
0x4c: {  	v3 =	vand.u32 $0x7, v3;
	v4 =	vand.u32 $0xFFFFFFF0, v42  }
0x4d: {  	v3 =	vor.u32 v3, v4  }
0x4e: {  	v4 =	vperm.xlane v3, v0;
	_ =	sdelay $0x1  }
0x4f: {  	v3 =	vperm.xlane v3, v2;
	v4 =	vadd.s32 v1, v4;
	_ =	sdelay $0x1  }
0x50: {  	v3 =	vadd.s32 v1, v3;
	_ =	sdelay $0x1  }
0x51: {  	s21 =	simm.s32 $0x5780  }
0x52: {  	[tilespmem:s21], [sflag:$0x1] =	stream.indirect_vreg.gather [hbm4b:s3+s2], $0x80, v4, vm0, $0xb8;
	[tilespmem:$0x1B780] =	vst v63  }
0x53: {  	s19 =	simm.s32 $0x5F80  }
0x54: {  	[tilespmem:s19], [sflag:$0x1] =	stream.indirect_vreg.gather [hbm4b:s3+s2], $0x80, v3, vm0, $0xb8;
	[tilespmem:$0x1B780] =	vst v63  }
0x55: {  	v3 =	vld [tilespmem:$0x40];
	_ =	sdelay $0x4  }
0x56: {  	v43 =	vshll.u32 v3, $0x1  }
0x57: {  	v3 =	vand.u32 $0x7, v3;
	v4 =	vand.u32 $0xFFFFFFF0, v43  }
0x58: {  	v3 =	vor.u32 v3, v4  }
0x59: {  	v4 =	vperm.xlane v3, v0;
	_ =	sdelay $0x1  }
0x5a: {  	v3 =	vperm.xlane v3, v2;
	v4 =	vadd.s32 v1, v4;
	_ =	sdelay $0x1  }
0x5b: {  	v3 =	vadd.s32 v1, v3;
	_ =	sdelay $0x1  }
0x5c: {  	s20 =	simm.s32 $0x6780  }
0x5d: {  	[tilespmem:s20], [sflag:$0x1] =	stream.indirect_vreg.gather [hbm4b:s3+s2], $0x80, v4, vm0, $0xb8;
	[tilespmem:$0x1B780] =	vst v63  }
0x5e: {  	s21 =	simm.s32 $0x6F80  }
0x5f: {  	[tilespmem:s21], [sflag:$0x1] =	stream.indirect_vreg.gather [hbm4b:s3+s2], $0x80, v3, vm0, $0xb8;
	[tilespmem:$0x1B780] =	vst v63  }
0x60: {  	v3 =	vld [tilespmem:$0x50];
	_ =	sdelay $0x4  }
0x61: {  	v44 =	vshll.u32 v3, $0x1  }
0x62: {  	v3 =	vand.u32 $0x7, v3;
	v4 =	vand.u32 $0xFFFFFFF0, v44  }
0x63: {  	v3 =	vor.u32 v3, v4  }
0x64: {  	v4 =	vperm.xlane v3, v0;
	_ =	sdelay $0x1  }
0x65: {  	v3 =	vperm.xlane v3, v2;
	v4 =	vadd.s32 v1, v4;
	_ =	sdelay $0x1  }
0x66: {  	v3 =	vadd.s32 v1, v3;
	_ =	sdelay $0x2  }
0x67: {  	[tilespmem:s18], [sflag:$0x2] =	stream.indirect_vreg.gather [hbm4b:s3+s2], $0x80, v4, vm0, $0xb8;
	[tilespmem:$0x1B780] =	vst v63  }
0x68: {  	s19 =	simm.s32 $0x7F80  }
0x69: {  	[tilespmem:s19], [sflag:$0x2] =	stream.indirect_vreg.gather [hbm4b:s3+s2], $0x80, v3, vm0, $0xb8;
	[tilespmem:$0x1B780] =	vst v63  }
0x6a: {  	v3 =	vld [tilespmem:$0x60];
	_ =	sdelay $0x4  }
0x6b: {  	v45 =	vshll.u32 v3, $0x1  }
0x6c: {  	v3 =	vand.u32 $0x7, v3;
	v4 =	vand.u32 $0xFFFFFFF0, v45  }
0x6d: {  	v3 =	vor.u32 v3, v4  }
0x6e: {  	v4 =	vperm.xlane v3, v0;
	_ =	sdelay $0x1  }
0x6f: {  	v3 =	vperm.xlane v3, v2;
	v4 =	vadd.s32 v1, v4;
	_ =	sdelay $0x1  }
0x70: {  	v3 =	vadd.s32 v1, v3;
	_ =	sdelay $0x1  }
0x71: {  	s20 =	simm.s32 $0x8780  }
0x72: {  	[tilespmem:s20], [sflag:$0x2] =	stream.indirect_vreg.gather [hbm4b:s3+s2], $0x80, v4, vm0, $0xb8;
	[tilespmem:$0x1B780] =	vst v63  }
0x73: {  	s21 =	simm.s32 $0x8F80  }
0x74: {  	[tilespmem:s21], [sflag:$0x2] =	stream.indirect_vreg.gather [hbm4b:s3+s2], $0x80, v3, vm0, $0xb8;
	[tilespmem:$0x1B780] =	vst v63  }
0x75: {  	v3 =	vld [tilespmem:$0x70];
	_ =	sdelay $0x4  }
0x76: {  	v46 =	vshll.u32 v3, $0x1  }
0x77: {  	v3 =	vand.u32 $0x7, v3;
	v4 =	vand.u32 $0xFFFFFFF0, v46  }
0x78: {  	v3 =	vor.u32 v3, v4  }
0x79: {  	v4 =	vperm.xlane v3, v0;
	_ =	sdelay $0x1  }
0x7a: {  	v3 =	vperm.xlane v3, v2;
	v4 =	vadd.s32 v1, v4;
	_ =	sdelay $0x1  }
0x7b: {  	v3 =	vadd.s32 v1, v3;
	_ =	sdelay $0x1  }
0x7c: {  	s19 =	simm.s32 $0x9780  }
0x7d: {  	[tilespmem:s19], [sflag:$0x2] =	stream.indirect_vreg.gather [hbm4b:s3+s2], $0x80, v4, vm0, $0xb8;
	[tilespmem:$0x1B780] =	vst v63  }
0x7e: {  	s20 =	simm.s32 $0x9F80  }
0x7f: {  	[tilespmem:s20], [sflag:$0x2] =	stream.indirect_vreg.gather [hbm4b:s3+s2], $0x80, v3, vm0, $0xb8;
	[tilespmem:$0x1B780] =	vst v63  }
0x80: {  	v3 =	vld [tilespmem:$0x80];
	_ =	sdelay $0x4  }
0x81: {  	v47 =	vshll.u32 v3, $0x1  }
0x82: {  	v3 =	vand.u32 $0x7, v3;
	v4 =	vand.u32 $0xFFFFFFF0, v47  }
0x83: {  	v3 =	vor.u32 v3, v4  }
0x84: {  	v4 =	vperm.xlane v3, v0;
	_ =	sdelay $0x1  }
0x85: {  	v3 =	vperm.xlane v3, v2;
	v4 =	vadd.s32 v1, v4;
	_ =	sdelay $0x1  }
0x86: {  	v3 =	vadd.s32 v1, v3;
	_ =	sdelay $0x1  }
0x87: {  	s21 =	simm.s32 $0xA780  }
0x88: {  	[tilespmem:s21], [sflag:$0x2] =	stream.indirect_vreg.gather [hbm4b:s3+s2], $0x80, v4, vm0, $0xb8;
	[tilespmem:$0x1B780] =	vst v63  }
0x89: {  	s19 =	simm.s32 $0xAF80  }
0x8a: {  	[tilespmem:s19], [sflag:$0x2] =	stream.indirect_vreg.gather [hbm4b:s3+s2], $0x80, v3, vm0, $0xb8;
	[tilespmem:$0x1B780] =	vst v63  }
0x8b: {  	v3 =	vld [tilespmem:$0x90];
	_ =	sdelay $0x4  }
0x8c: {  	v48 =	vshll.u32 v3, $0x1  }
0x8d: {  	v3 =	vand.u32 $0x7, v3;
	v4 =	vand.u32 $0xFFFFFFF0, v48  }
0x8e: {  	v3 =	vor.u32 v3, v4  }
0x8f: {  	v4 =	vperm.xlane v3, v0;
	_ =	sdelay $0x1  }
0x90: {  	v3 =	vperm.xlane v3, v2;
	v4 =	vadd.s32 v1, v4;
	_ =	sdelay $0x1  }
0x91: {  	v3 =	vadd.s32 v1, v3;
	_ =	sdelay $0x1  }
0x92: {  	s20 =	simm.s32 $0xB780  }
0x93: {  	[tilespmem:s20], [sflag:$0x2] =	stream.indirect_vreg.gather [hbm4b:s3+s2], $0x80, v4, vm0, $0xb8;
	[tilespmem:$0x1B780] =	vst v63  }
0x94: {  	s21 =	simm.s32 $0xBF80  }
0x95: {  	[tilespmem:s21], [sflag:$0x2] =	stream.indirect_vreg.gather [hbm4b:s3+s2], $0x80, v3, vm0, $0xb8;
	[tilespmem:$0x1B780] =	vst v63  }
0x96: {  	v3 =	vld [tilespmem:$0xA0];
	_ =	sdelay $0x4  }
0x97: {  	v49 =	vshll.u32 v3, $0x1  }
0x98: {  	v3 =	vand.u32 $0x7, v3;
	v4 =	vand.u32 $0xFFFFFFF0, v49  }
0x99: {  	v3 =	vor.u32 v3, v4  }
0x9a: {  	v4 =	vperm.xlane v3, v0;
	_ =	sdelay $0x1  }
0x9b: {  	v3 =	vperm.xlane v3, v2;
	v4 =	vadd.s32 v1, v4;
	_ =	sdelay $0x1  }
0x9c: {  	v3 =	vadd.s32 v1, v3;
	_ =	sdelay $0x2  }
0x9d: {  	[tilespmem:s29], [sflag:$0x3] =	stream.indirect_vreg.gather [hbm4b:s3+s2], $0x80, v4, vm0, $0xb8;
	[tilespmem:$0x1B780] =	vst v63  }
0x9e: {  	s19 =	simm.s32 $0xCF80  }
0x9f: {  	[tilespmem:s19], [sflag:$0x3] =	stream.indirect_vreg.gather [hbm4b:s3+s2], $0x80, v3, vm0, $0xb8;
	[tilespmem:$0x1B780] =	vst v63  }
0xa0: {  	v3 =	vld [tilespmem:$0xB0];
	_ =	sdelay $0x4  }
0xa1: {  	v50 =	vshll.u32 v3, $0x1  }
0xa2: {  	v3 =	vand.u32 $0x7, v3;
	v4 =	vand.u32 $0xFFFFFFF0, v50  }
0xa3: {  	v3 =	vor.u32 v3, v4  }
0xa4: {  	v4 =	vperm.xlane v3, v0;
	_ =	sdelay $0x1  }
0xa5: {  	v3 =	vperm.xlane v3, v2;
	v4 =	vadd.s32 v1, v4;
	_ =	sdelay $0x1  }
0xa6: {  	v3 =	vadd.s32 v1, v3;
	_ =	sdelay $0x1  }
0xa7: {  	s20 =	simm.s32 $0xD780  }
0xa8: {  	[tilespmem:s20], [sflag:$0x3] =	stream.indirect_vreg.gather [hbm4b:s3+s2], $0x80, v4, vm0, $0xb8;
	[tilespmem:$0x1B780] =	vst v63  }
0xa9: {  	s21 =	simm.s32 $0xDF80  }
0xaa: {  	[tilespmem:s21], [sflag:$0x3] =	stream.indirect_vreg.gather [hbm4b:s3+s2], $0x80, v3, vm0, $0xb8;
	[tilespmem:$0x1B780] =	vst v63  }
0xab: {  	v3 =	vld [tilespmem:$0xC0];
	_ =	sdelay $0x4  }
0xac: {  	v51 =	vshll.u32 v3, $0x1  }
0xad: {  	v3 =	vand.u32 $0x7, v3;
	v4 =	vand.u32 $0xFFFFFFF0, v51  }
0xae: {  	v3 =	vor.u32 v3, v4  }
0xaf: {  	v4 =	vperm.xlane v3, v0;
	_ =	sdelay $0x1  }
0xb0: {  	v3 =	vperm.xlane v3, v2;
	v4 =	vadd.s32 v1, v4;
	_ =	sdelay $0x1  }
0xb1: {  	v3 =	vadd.s32 v1, v3;
	_ =	sdelay $0x1  }
0xb2: {  	s19 =	simm.s32 $0xE780  }
0xb3: {  	[tilespmem:s19], [sflag:$0x3] =	stream.indirect_vreg.gather [hbm4b:s3+s2], $0x80, v4, vm0, $0xb8;
	[tilespmem:$0x1B780] =	vst v63  }
0xb4: {  	s20 =	simm.s32 $0xEF80  }
0xb5: {  	[tilespmem:s20], [sflag:$0x3] =	stream.indirect_vreg.gather [hbm4b:s3+s2], $0x80, v3, vm0, $0xb8;
	[tilespmem:$0x1B780] =	vst v63  }
0xb6: {  	v3 =	vld [tilespmem:$0xD0];
	_ =	sdelay $0x4  }
0xb7: {  	v52 =	vshll.u32 v3, $0x1  }
0xb8: {  	v3 =	vand.u32 $0x7, v3;
	v4 =	vand.u32 $0xFFFFFFF0, v52  }
0xb9: {  	v3 =	vor.u32 v3, v4  }
0xba: {  	v4 =	vperm.xlane v3, v0;
	_ =	sdelay $0x1  }
0xbb: {  	v3 =	vperm.xlane v3, v2;
	v4 =	vadd.s32 v1, v4;
	_ =	sdelay $0x1  }
0xbc: {  	v3 =	vadd.s32 v1, v3;
	_ =	sdelay $0x1  }
0xbd: {  	s21 =	simm.s32 $0xF780  }
0xbe: {  	[tilespmem:s21], [sflag:$0x3] =	stream.indirect_vreg.gather [hbm4b:s3+s2], $0x80, v4, vm0, $0xb8;
	[tilespmem:$0x1B780] =	vst v63  }
0xbf: {  	s19 =	simm.s32 $0xFF80  }
0xc0: {  	[tilespmem:s19], [sflag:$0x3] =	stream.indirect_vreg.gather [hbm4b:s3+s2], $0x80, v3, vm0, $0xb8;
	[tilespmem:$0x1B780] =	vst v63  }
0xc1: {  	v3 =	vld [tilespmem:$0xE0];
	_ =	sdelay $0x4  }
0xc2: {  	v53 =	vshll.u32 v3, $0x1  }
0xc3: {  	v3 =	vand.u32 $0x7, v3;
	v4 =	vand.u32 $0xFFFFFFF0, v53  }
0xc4: {  	v3 =	vor.u32 v3, v4  }
0xc5: {  	v4 =	vperm.xlane v3, v0;
	_ =	sdelay $0x1  }
0xc6: {  	v3 =	vperm.xlane v3, v2;
	v4 =	vadd.s32 v1, v4;
	_ =	sdelay $0x1  }
0xc7: {  	v3 =	vadd.s32 v1, v3;
	_ =	sdelay $0x1  }
0xc8: {  	s20 =	simm.s32 $0x10780  }
0xc9: {  	[tilespmem:s20], [sflag:$0x3] =	stream.indirect_vreg.gather [hbm4b:s3+s2], $0x80, v4, vm0, $0xb8;
	[tilespmem:$0x1B780] =	vst v63  }
0xca: {  	s21 =	simm.s32 $0x10F80  }
0xcb: {  	[tilespmem:s21], [sflag:$0x3] =	stream.indirect_vreg.gather [hbm4b:s3+s2], $0x80, v3, vm0, $0xb8;
	[tilespmem:$0x1B780] =	vst v63  }
0xcc: {  	v3 =	vld [tilespmem:$0xF0];
	_ =	sdelay $0x4  }
0xcd: {  	v54 =	vshll.u32 v3, $0x1  }
0xce: {  	v3 =	vand.u32 $0x7, v3;
	v4 =	vand.u32 $0xFFFFFFF0, v54  }
0xcf: {  	v3 =	vor.u32 v3, v4  }
0xd0: {  	v4 =	vperm.xlane v3, v0;
	_ =	sdelay $0x1  }
0xd1: {  	v3 =	vperm.xlane v3, v2;
	v4 =	vadd.s32 v1, v4;
	_ =	sdelay $0x1  }
0xd2: {  	v3 =	vadd.s32 v1, v3;
	_ =	sdelay $0x2  }
0xd3: {  	[tilespmem:s11], [sflag:$0x4] =	stream.indirect_vreg.gather [hbm4b:s3+s2], $0x80, v4, vm0, $0xb8;
	[tilespmem:$0x1B780] =	vst v63  }
0xd4: {  	s19 =	simm.s32 $0x11F80  }
0xd5: {  	[tilespmem:s19], [sflag:$0x4] =	stream.indirect_vreg.gather [hbm4b:s3+s2], $0x80, v3, vm0, $0xb8;
	[tilespmem:$0x1B780] =	vst v63  }
0xd6: {  	v3 =	vld [tilespmem:$0x100];
	_ =	sdelay $0x4  }
0xd7: {  	v55 =	vshll.u32 v3, $0x1  }
0xd8: {  	v3 =	vand.u32 $0x7, v3;
	v4 =	vand.u32 $0xFFFFFFF0, v55  }
0xd9: {  	v3 =	vor.u32 v3, v4  }
0xda: {  	v4 =	vperm.xlane v3, v0;
	_ =	sdelay $0x1  }
0xdb: {  	v3 =	vperm.xlane v3, v2;
	v4 =	vadd.s32 v1, v4;
	_ =	sdelay $0x1  }
0xdc: {  	v3 =	vadd.s32 v1, v3;
	_ =	sdelay $0x1  }
0xdd: {  	s20 =	simm.s32 $0x12780  }
0xde: {  	[tilespmem:s20], [sflag:$0x4] =	stream.indirect_vreg.gather [hbm4b:s3+s2], $0x80, v4, vm0, $0xb8;
	[tilespmem:$0x1B780] =	vst v63  }
0xdf: {  	s21 =	simm.s32 $0x12F80  }
0xe0: {  	[tilespmem:s21], [sflag:$0x4] =	stream.indirect_vreg.gather [hbm4b:s3+s2], $0x80, v3, vm0, $0xb8;
	[tilespmem:$0x1B780] =	vst v63  }
0xe1: {  	v3 =	vld [tilespmem:$0x110];
	_ =	sdelay $0x4  }
0xe2: {  	v56 =	vshll.u32 v3, $0x1  }
0xe3: {  	v3 =	vand.u32 $0x7, v3;
	v4 =	vand.u32 $0xFFFFFFF0, v56  }
0xe4: {  	v3 =	vor.u32 v3, v4  }
0xe5: {  	v4 =	vperm.xlane v3, v0;
	_ =	sdelay $0x1  }
0xe6: {  	v3 =	vperm.xlane v3, v2;
	v4 =	vadd.s32 v1, v4;
	_ =	sdelay $0x1  }
0xe7: {  	v3 =	vadd.s32 v1, v3;
	_ =	sdelay $0x1  }
0xe8: {  	s19 =	simm.s32 $0x13780  }
0xe9: {  	[tilespmem:s19], [sflag:$0x4] =	stream.indirect_vreg.gather [hbm4b:s3+s2], $0x80, v4, vm0, $0xb8;
	[tilespmem:$0x1B780] =	vst v63  }
0xea: {  	s20 =	simm.s32 $0x13F80  }
0xeb: {  	[tilespmem:s20], [sflag:$0x4] =	stream.indirect_vreg.gather [hbm4b:s3+s2], $0x80, v3, vm0, $0xb8;
	[tilespmem:$0x1B780] =	vst v63  }
0xec: {  	v3 =	vld [tilespmem:$0x120];
	_ =	sdelay $0x4  }
0xed: {  	v57 =	vshll.u32 v3, $0x1  }
0xee: {  	v3 =	vand.u32 $0x7, v3;
	v4 =	vand.u32 $0xFFFFFFF0, v57  }
0xef: {  	v3 =	vor.u32 v3, v4  }
0xf0: {  	v4 =	vperm.xlane v3, v0;
	_ =	sdelay $0x1  }
0xf1: {  	v3 =	vperm.xlane v3, v2;
	v4 =	vadd.s32 v1, v4;
	_ =	sdelay $0x1  }
0xf2: {  	v3 =	vadd.s32 v1, v3;
	_ =	sdelay $0x1  }
0xf3: {  	s21 =	simm.s32 $0x14780  }
0xf4: {  	[tilespmem:s21], [sflag:$0x4] =	stream.indirect_vreg.gather [hbm4b:s3+s2], $0x80, v4, vm0, $0xb8;
	[tilespmem:$0x1B780] =	vst v63  }
0xf5: {  	s19 =	simm.s32 $0x14F80  }
0xf6: {  	[tilespmem:s19], [sflag:$0x4] =	stream.indirect_vreg.gather [hbm4b:s3+s2], $0x80, v3, vm0, $0xb8;
	[tilespmem:$0x1B780] =	vst v63  }
0xf7: {  	v3 =	vld [tilespmem:$0x130];
	_ =	sdelay $0x4  }
0xf8: {  	v58 =	vshll.u32 v3, $0x1  }
0xf9: {  	v3 =	vand.u32 $0x7, v3;
	v4 =	vand.u32 $0xFFFFFFF0, v58  }
0xfa: {  	v3 =	vor.u32 v3, v4  }
0xfb: {  	v4 =	vperm.xlane v3, v0;
	_ =	sdelay $0x1  }
0xfc: {  	v3 =	vperm.xlane v3, v2;
	v4 =	vadd.s32 v1, v4;
	_ =	sdelay $0x1  }
0xfd: {  	v3 =	vadd.s32 v1, v3;
	_ =	sdelay $0x1  }
0xfe: {  	s20 =	simm.s32 $0x15780  }
0xff: {  	[tilespmem:s20], [sflag:$0x4] =	stream.indirect_vreg.gather [hbm4b:s3+s2], $0x80, v4, vm0, $0xb8;
	[tilespmem:$0x1B780] =	vst v63  }
0x100: {  	s21 =	simm.s32 $0x15F80  }
0x101: {  	[tilespmem:s21], [sflag:$0x4] =	stream.indirect_vreg.gather [hbm4b:s3+s2], $0x80, v3, vm0, $0xb8;
	[tilespmem:$0x1B780] =	vst v63  }
0x102: {  	v3 =	vld [tilespmem:$0x140];
	_ =	sdelay $0x4  }
0x103: {  	v59 =	vshll.u32 v3, $0x1  }
0x104: {  	v3 =	vand.u32 $0x7, v3;
	v4 =	vand.u32 $0xFFFFFFF0, v59  }
0x105: {  	v3 =	vor.u32 v3, v4  }
0x106: {  	v4 =	vperm.xlane v3, v0;
	_ =	sdelay $0x1  }
0x107: {  	v3 =	vperm.xlane v3, v2;
	v4 =	vadd.s32 v1, v4;
	_ =	sdelay $0x1  }
0x108: {  	v3 =	vadd.s32 v1, v3;
	_ =	sdelay $0x2  }
0x109: {  	[tilespmem:s22], [sflag:$0x5] =	stream.indirect_vreg.gather [hbm4b:s3+s2], $0x80, v4, vm0, $0xb8;
	[tilespmem:$0x1B780] =	vst v63  }
0x10a: {  	_ = 	snop  }
0x10b: {  	[tilespmem:s23], [sflag:$0x5] =	stream.indirect_vreg.gather [hbm4b:s3+s2], $0x80, v3, vm0, $0xb8;
	[tilespmem:$0x1B780] =	vst v63  }
0x10c: {  	v3 =	vld [tilespmem:$0x150];
	_ =	sdelay $0x4  }
0x10d: {  	v60 =	vshll.u32 v3, $0x1  }
0x10e: {  	v3 =	vand.u32 $0x7, v3;
	v4 =	vand.u32 $0xFFFFFFF0, v60  }
0x10f: {  	v3 =	vor.u32 v3, v4  }
0x110: {  	v4 =	vperm.xlane v3, v0;
	_ =	sdelay $0x1  }
0x111: {  	v3 =	vperm.xlane v3, v2;
	v4 =	vadd.s32 v1, v4;
	_ =	sdelay $0x1  }
0x112: {  	v3 =	vadd.s32 v1, v3;
	_ =	sdelay $0x2  }
0x113: {  	[tilespmem:s24], [sflag:$0x5] =	stream.indirect_vreg.gather [hbm4b:s3+s2], $0x80, v4, vm0, $0xb8;
	[tilespmem:$0x1B780] =	vst v63  }
0x114: {  	_ = 	snop  }
0x115: {  	[tilespmem:s25], [sflag:$0x5] =	stream.indirect_vreg.gather [hbm4b:s3+s2], $0x80, v3, vm0, $0xb8;
	[tilespmem:$0x1B780] =	vst v63  }
0x116: {  	v3 =	vld [tilespmem:$0x160];
	_ =	sdelay $0x4  }
0x117: {  	v61 =	vshll.u32 v3, $0x1  }
0x118: {  	v3 =	vand.u32 $0x7, v3;
	v4 =	vand.u32 $0xFFFFFFF0, v61  }
0x119: {  	v3 =	vor.u32 v3, v4  }
0x11a: {  	v4 =	vperm.xlane v3, v0;
	_ =	sdelay $0x1  }
0x11b: {  	v3 =	vperm.xlane v3, v2;
	v4 =	vadd.s32 v1, v4;
	_ =	sdelay $0x1  }
0x11c: {  	v3 =	vadd.s32 v1, v3;
	_ =	sdelay $0x2  }
0x11d: {  	[tilespmem:s26], [sflag:$0x5] =	stream.indirect_vreg.gather [hbm4b:s3+s2], $0x80, v4, vm0, $0xb8;
	[tilespmem:$0x1B780] =	vst v63  }
0x11e: {  	_ = 	snop  }
0x11f: {  	[tilespmem:s28], [sflag:$0x5] =	stream.indirect_vreg.gather [hbm4b:s3+s2], $0x80, v3, vm0, $0xb8;
	[tilespmem:$0x1B780] =	vst v63  }
0x120: {  	v3 =	vld [tilespmem:$0x170];
	_ =	sdelay $0x4  }
0x121: {  	v62 =	vshll.u32 v3, $0x1  }
0x122: {  	v3 =	vand.u32 $0x7, v3;
	v4 =	vand.u32 $0xFFFFFFF0, v62  }
0x123: {  	v3 =	vor.u32 v3, v4  }
0x124: {  	v4 =	vperm.xlane v3, v0;
	_ =	sdelay $0x1  }
0x125: {  	v3 =	vperm.xlane v3, v2;
	v4 =	vadd.s32 v1, v4;
	_ =	sdelay $0x1  }
0x126: {  	v3 =	vadd.s32 v1, v3;
	_ =	sdelay $0x2  }
0x127: {  	[tilespmem:s30], [sflag:$0x5] =	stream.indirect_vreg.gather [hbm4b:s3+s2], $0x80, v4, vm0, $0xb8;
	[tilespmem:$0x1B780] =	vst v63  }
0x128: {  	_ = 	snop  }
0x129: {  	[tilespmem:s31], [sflag:$0x5] =	stream.indirect_vreg.gather [hbm4b:s3+s2], $0x80, v3, vm0, $0xb8;
	[tilespmem:$0x1B780] =	vst v63  }
0x12a: {  	v3 =	vld [tilespmem:$0x180];
	_ =	sdelay $0x4  }
0x12b: {  	v63 =	vshll.u32 v3, $0x1  }
0x12c: {  	v3 =	vand.u32 $0x7, v3;
	v4 =	vand.u32 $0xFFFFFFF0, v63  }
0x12d: {  	v3 =	vor.u32 v3, v4  }
0x12e: {  	v4 =	vperm.xlane v3, v0;
	_ =	sdelay $0x1  }
0x12f: {  	v3 =	vperm.xlane v3, v2;
	v4 =	vadd.s32 v1, v4;
	_ =	sdelay $0x1  }
0x130: {  	v3 =	vadd.s32 v1, v3;
	_ =	sdelay $0x2  }
0x131: {  	[tilespmem:s0], [sflag:$0x5] =	stream.indirect_vreg.gather [hbm4b:s3+s2], $0x80, v4, vm0, $0xb8;
	[tilespmem:$0x1B780] =	vst v63  }
0x132: {  	s17 =	simm.s32 $0x310;
	s19 =	simm.s32 $0x0  }
0x133: {  	[tilespmem:s1], [sflag:$0x5] =	stream.indirect_vreg.gather [hbm4b:s3+s2], $0x80, v3, vm0, $0xb8;
	[tilespmem:$0x1B780] =	vst v63  }
.LBB2_2:
0x134: {  	_ =	swait.ge [sflag:s4], $0x5000  }
0x135: {  	[sflag:s4] =	ssyncset.done $0x0  }
0x136: {  	s20 =	sadd.s32 s19, s6;
	[sflag:s4] =	ssyncadd.s32 $0xFFFFB000  }
0x137: {  	[hbm4b:s20+s2] =	stream.linear.scatter [tilespmem:s8], [sflag:$0x6], $0x5000, $0x38;
	[tilespmem:$0x1B780] =	vst v63  }
0x138: {  	_ =	swait.ge [sflag:s5], $0x5000  }
0x139: {  	[sflag:s5] =	ssyncset.done $0x0  }
0x13a: {  	s21 =	sadd.s32 $0xA00, s20;
	[sflag:s5] =	ssyncadd.s32 $0xFFFFB000  }
0x13b: {  	[hbm4b:s21+s2] =	stream.linear.scatter [tilespmem:s18], [sflag:$0x7], $0x5000, $0x38;
	[tilespmem:$0x1B780] =	vst v63  }
0x13c: {  	_ =	swait.ge [sflag:s7], $0x5000  }
0x13d: {  	[sflag:s7] =	ssyncset.done $0x0  }
0x13e: {  	s21 =	sadd.s32 $0x1400, s20;
	[sflag:s7] =	ssyncadd.s32 $0xFFFFB000  }
0x13f: {  	[hbm4b:s21+s2] =	stream.linear.scatter [tilespmem:s29], [sflag:$0x8], $0x5000, $0x38;
	[tilespmem:$0x1B780] =	vst v63  }
0x140: {  	_ =	swait.ge [sflag:s9], $0x5000  }
0x141: {  	[sflag:s9] =	ssyncset.done $0x0  }
0x142: {  	s21 =	sadd.s32 $0x1E00, s20;
	[sflag:s9] =	ssyncadd.s32 $0xFFFFB000  }
0x143: {  	[hbm4b:s21+s2] =	stream.linear.scatter [tilespmem:s11], [sflag:$0x9], $0x5000, $0x38;
	[tilespmem:$0x1B780] =	vst v63  }
0x144: {  	_ =	swait.ge [sflag:s10], $0x5000  }
0x145: {  	p0 =	sne.s32 s19, $0x4B000;
	[sflag:s10] =	ssyncset.done $0x0  }
.Ltmp2:
0x146: {  	s20 =	sadd.s32 $0x2800, s20;
	[sflag:s10] =	ssyncadd.s32 $0xFFFFB000;
	(pc) =	sbr.rel @!p0 .LBB2_3-.Ltmp2, $4  }
0x147: {  	[hbm4b:s20+s2] =	stream.linear.scatter [tilespmem:s22], [sflag:$0xA], $0x5000, $0x38;
	[tilespmem:$0x1B780] =	vst v63  }
0x148: {  	_ =	swait.ge [sflag:s12], $0x5000  }
0x149: {  	[sflag:s12] =	ssyncset.done $0x0  }
0x14a: {  	[sflag:s12] =	ssyncadd.s32 $0xFFFFB000  }
0x14b: {  	v3 =	vld [tilespmem:s17+$0xFFFFFE80];
	_ =	sdelay $0x4  }
0x14c: {  	v4 =	vshll.u32 v3, $0x1  }
0x14d: {  	v3 =	vand.u32 $0x7, v3;
	v4 =	vand.u32 $0xFFFFFFF0, v4  }
0x14e: {  	v3 =	vor.u32 v3, v4  }
0x14f: {  	v4 =	vperm.xlane v3, v0;
	_ =	sdelay $0x1  }
0x150: {  	v3 =	vperm.xlane v3, v2;
	v4 =	vadd.s32 v1, v4;
	_ =	sdelay $0x1  }
0x151: {  	v3 =	vadd.s32 v1, v3;
	_ =	sdelay $0x2  }
0x152: {  	[tilespmem:s8], [sflag:$0x1] =	stream.indirect_vreg.gather [hbm4b:s3+s2], $0x80, v4, vm0, $0xb8;
	[tilespmem:$0x1B780] =	vst v63  }
0x153: {  	s20 =	simm.s32 $0x2F80  }
0x154: {  	[tilespmem:s20], [sflag:$0x1] =	stream.indirect_vreg.gather [hbm4b:s3+s2], $0x80, v3, vm0, $0xb8;
	[tilespmem:$0x1B780] =	vst v63  }
0x155: {  	v3 =	vld [tilespmem:s17+$0xFFFFFE90];
	_ =	sdelay $0x4  }
0x156: {  	v40 =	vshll.u32 v3, $0x1  }
0x157: {  	v3 =	vand.u32 $0x7, v3;
	v4 =	vand.u32 $0xFFFFFFF0, v40  }
0x158: {  	v3 =	vor.u32 v3, v4  }
0x159: {  	v4 =	vperm.xlane v3, v0;
	_ =	sdelay $0x1  }
0x15a: {  	v3 =	vperm.xlane v3, v2;
	v4 =	vadd.s32 v1, v4;
	_ =	sdelay $0x1  }
0x15b: {  	v3 =	vadd.s32 v1, v3;
	_ =	sdelay $0x1  }
0x15c: {  	s21 =	simm.s32 $0x3780  }
0x15d: {  	[tilespmem:s21], [sflag:$0x1] =	stream.indirect_vreg.gather [hbm4b:s3+s2], $0x80, v4, vm0, $0xb8;
	[tilespmem:$0x1B780] =	vst v63  }
0x15e: {  	s21 =	simm.s32 $0x3F80  }
0x15f: {  	[tilespmem:s21], [sflag:$0x1] =	stream.indirect_vreg.gather [hbm4b:s3+s2], $0x80, v3, vm0, $0xb8;
	[tilespmem:$0x1B780] =	vst v63  }
0x160: {  	v3 =	vld [tilespmem:s17+$0xFFFFFEA0];
	_ =	sdelay $0x4  }
0x161: {  	v41 =	vshll.u32 v3, $0x1  }
0x162: {  	v3 =	vand.u32 $0x7, v3;
	v4 =	vand.u32 $0xFFFFFFF0, v41  }
0x163: {  	v3 =	vor.u32 v3, v4  }
0x164: {  	v4 =	vperm.xlane v3, v0;
	_ =	sdelay $0x1  }
0x165: {  	v3 =	vperm.xlane v3, v2;
	v4 =	vadd.s32 v1, v4;
	_ =	sdelay $0x1  }
0x166: {  	v3 =	vadd.s32 v1, v3;
	_ =	sdelay $0x1  }
0x167: {  	s21 =	simm.s32 $0x4780  }
0x168: {  	[tilespmem:s21], [sflag:$0x1] =	stream.indirect_vreg.gather [hbm4b:s3+s2], $0x80, v4, vm0, $0xb8;
	[tilespmem:$0x1B780] =	vst v63  }
0x169: {  	s21 =	simm.s32 $0x4F80  }
0x16a: {  	[tilespmem:s21], [sflag:$0x1] =	stream.indirect_vreg.gather [hbm4b:s3+s2], $0x80, v3, vm0, $0xb8;
	[tilespmem:$0x1B780] =	vst v63  }
0x16b: {  	v3 =	vld [tilespmem:s17+$0xFFFFFEB0];
	_ =	sdelay $0x4  }
0x16c: {  	v42 =	vshll.u32 v3, $0x1  }
0x16d: {  	v3 =	vand.u32 $0x7, v3;
	v4 =	vand.u32 $0xFFFFFFF0, v42  }
0x16e: {  	v3 =	vor.u32 v3, v4  }
0x16f: {  	v4 =	vperm.xlane v3, v0;
	_ =	sdelay $0x1  }
0x170: {  	v3 =	vperm.xlane v3, v2;
	v4 =	vadd.s32 v1, v4;
	_ =	sdelay $0x1  }
0x171: {  	v3 =	vadd.s32 v1, v3;
	_ =	sdelay $0x1  }
0x172: {  	s21 =	simm.s32 $0x5780  }
0x173: {  	[tilespmem:s21], [sflag:$0x1] =	stream.indirect_vreg.gather [hbm4b:s3+s2], $0x80, v4, vm0, $0xb8;
	[tilespmem:$0x1B780] =	vst v63  }
0x174: {  	s21 =	simm.s32 $0x5F80  }
0x175: {  	[tilespmem:s21], [sflag:$0x1] =	stream.indirect_vreg.gather [hbm4b:s3+s2], $0x80, v3, vm0, $0xb8;
	[tilespmem:$0x1B780] =	vst v63  }
0x176: {  	v3 =	vld [tilespmem:s17+$0xFFFFFEC0];
	_ =	sdelay $0x4  }
0x177: {  	v43 =	vshll.u32 v3, $0x1  }
0x178: {  	v3 =	vand.u32 $0x7, v3;
	v4 =	vand.u32 $0xFFFFFFF0, v43  }
0x179: {  	v3 =	vor.u32 v3, v4  }
0x17a: {  	v4 =	vperm.xlane v3, v0;
	_ =	sdelay $0x1  }
0x17b: {  	v3 =	vperm.xlane v3, v2;
	v4 =	vadd.s32 v1, v4;
	_ =	sdelay $0x1  }
0x17c: {  	v3 =	vadd.s32 v1, v3;
	_ =	sdelay $0x1  }
0x17d: {  	s21 =	simm.s32 $0x6780  }
0x17e: {  	[tilespmem:s21], [sflag:$0x1] =	stream.indirect_vreg.gather [hbm4b:s3+s2], $0x80, v4, vm0, $0xb8;
	[tilespmem:$0x1B780] =	vst v63  }
0x17f: {  	s21 =	simm.s32 $0x6F80  }
0x180: {  	[tilespmem:s21], [sflag:$0x1] =	stream.indirect_vreg.gather [hbm4b:s3+s2], $0x80, v3, vm0, $0xb8;
	[tilespmem:$0x1B780] =	vst v63  }
0x181: {  	_ =	swait.ge [sflag:s13], $0x5000  }
0x182: {  	[sflag:s13] =	ssyncset.done $0x0  }
0x183: {  	[sflag:s13] =	ssyncadd.s32 $0xFFFFB000  }
0x184: {  	v3 =	vld [tilespmem:s17+$0xFFFFFED0];
	_ =	sdelay $0x4  }
0x185: {  	v44 =	vshll.u32 v3, $0x1  }
0x186: {  	v3 =	vand.u32 $0x7, v3;
	v4 =	vand.u32 $0xFFFFFFF0, v44  }
0x187: {  	v3 =	vor.u32 v3, v4  }
0x188: {  	v4 =	vperm.xlane v3, v0;
	_ =	sdelay $0x1  }
0x189: {  	v3 =	vperm.xlane v3, v2;
	v4 =	vadd.s32 v1, v4;
	_ =	sdelay $0x1  }
0x18a: {  	v3 =	vadd.s32 v1, v3;
	_ =	sdelay $0x2  }
0x18b: {  	[tilespmem:s18], [sflag:$0x2] =	stream.indirect_vreg.gather [hbm4b:s3+s2], $0x80, v4, vm0, $0xb8;
	[tilespmem:$0x1B780] =	vst v63  }
0x18c: {  	s21 =	simm.s32 $0x7F80  }
0x18d: {  	[tilespmem:s21], [sflag:$0x2] =	stream.indirect_vreg.gather [hbm4b:s3+s2], $0x80, v3, vm0, $0xb8;
	[tilespmem:$0x1B780] =	vst v63  }
0x18e: {  	v3 =	vld [tilespmem:s17+$0xFFFFFEE0];
	_ =	sdelay $0x4  }
0x18f: {  	v45 =	vshll.u32 v3, $0x1  }
0x190: {  	v3 =	vand.u32 $0x7, v3;
	v4 =	vand.u32 $0xFFFFFFF0, v45  }
0x191: {  	v3 =	vor.u32 v3, v4  }
0x192: {  	v4 =	vperm.xlane v3, v0;
	_ =	sdelay $0x1  }
0x193: {  	v3 =	vperm.xlane v3, v2;
	v4 =	vadd.s32 v1, v4;
	_ =	sdelay $0x1  }
0x194: {  	v3 =	vadd.s32 v1, v3;
	_ =	sdelay $0x1  }
0x195: {  	s21 =	simm.s32 $0x8780  }
0x196: {  	[tilespmem:s21], [sflag:$0x2] =	stream.indirect_vreg.gather [hbm4b:s3+s2], $0x80, v4, vm0, $0xb8;
	[tilespmem:$0x1B780] =	vst v63  }
0x197: {  	s21 =	simm.s32 $0x8F80  }
0x198: {  	[tilespmem:s21], [sflag:$0x2] =	stream.indirect_vreg.gather [hbm4b:s3+s2], $0x80, v3, vm0, $0xb8;
	[tilespmem:$0x1B780] =	vst v63  }
0x199: {  	v3 =	vld [tilespmem:s17+$0xFFFFFEF0];
	_ =	sdelay $0x4  }
0x19a: {  	v46 =	vshll.u32 v3, $0x1  }
0x19b: {  	v3 =	vand.u32 $0x7, v3;
	v4 =	vand.u32 $0xFFFFFFF0, v46  }
0x19c: {  	v3 =	vor.u32 v3, v4  }
0x19d: {  	v4 =	vperm.xlane v3, v0;
	_ =	sdelay $0x1  }
0x19e: {  	v3 =	vperm.xlane v3, v2;
	v4 =	vadd.s32 v1, v4;
	_ =	sdelay $0x1  }
0x19f: {  	v3 =	vadd.s32 v1, v3;
	_ =	sdelay $0x1  }
0x1a0: {  	s21 =	simm.s32 $0x9780  }
0x1a1: {  	[tilespmem:s21], [sflag:$0x2] =	stream.indirect_vreg.gather [hbm4b:s3+s2], $0x80, v4, vm0, $0xb8;
	[tilespmem:$0x1B780] =	vst v63  }
0x1a2: {  	s21 =	simm.s32 $0x9F80  }
0x1a3: {  	[tilespmem:s21], [sflag:$0x2] =	stream.indirect_vreg.gather [hbm4b:s3+s2], $0x80, v3, vm0, $0xb8;
	[tilespmem:$0x1B780] =	vst v63  }
0x1a4: {  	v3 =	vld [tilespmem:s17+$0xFFFFFF00];
	_ =	sdelay $0x4  }
0x1a5: {  	v47 =	vshll.u32 v3, $0x1  }
0x1a6: {  	v3 =	vand.u32 $0x7, v3;
	v4 =	vand.u32 $0xFFFFFFF0, v47  }
0x1a7: {  	v3 =	vor.u32 v3, v4  }
0x1a8: {  	v4 =	vperm.xlane v3, v0;
	_ =	sdelay $0x1  }
0x1a9: {  	v3 =	vperm.xlane v3, v2;
	v4 =	vadd.s32 v1, v4;
	_ =	sdelay $0x1  }
0x1aa: {  	v3 =	vadd.s32 v1, v3;
	_ =	sdelay $0x1  }
0x1ab: {  	s21 =	simm.s32 $0xA780  }
0x1ac: {  	[tilespmem:s21], [sflag:$0x2] =	stream.indirect_vreg.gather [hbm4b:s3+s2], $0x80, v4, vm0, $0xb8;
	[tilespmem:$0x1B780] =	vst v63  }
0x1ad: {  	s21 =	simm.s32 $0xAF80  }
0x1ae: {  	[tilespmem:s21], [sflag:$0x2] =	stream.indirect_vreg.gather [hbm4b:s3+s2], $0x80, v3, vm0, $0xb8;
	[tilespmem:$0x1B780] =	vst v63  }
0x1af: {  	v3 =	vld [tilespmem:s17+$0xFFFFFF10];
	_ =	sdelay $0x4  }
0x1b0: {  	v48 =	vshll.u32 v3, $0x1  }
0x1b1: {  	v3 =	vand.u32 $0x7, v3;
	v4 =	vand.u32 $0xFFFFFFF0, v48  }
0x1b2: {  	v3 =	vor.u32 v3, v4  }
0x1b3: {  	v4 =	vperm.xlane v3, v0;
	_ =	sdelay $0x1  }
0x1b4: {  	v3 =	vperm.xlane v3, v2;
	v4 =	vadd.s32 v1, v4;
	_ =	sdelay $0x1  }
0x1b5: {  	v3 =	vadd.s32 v1, v3;
	_ =	sdelay $0x1  }
0x1b6: {  	s21 =	simm.s32 $0xB780  }
0x1b7: {  	[tilespmem:s21], [sflag:$0x2] =	stream.indirect_vreg.gather [hbm4b:s3+s2], $0x80, v4, vm0, $0xb8;
	[tilespmem:$0x1B780] =	vst v63  }
0x1b8: {  	s21 =	simm.s32 $0xBF80  }
0x1b9: {  	[tilespmem:s21], [sflag:$0x2] =	stream.indirect_vreg.gather [hbm4b:s3+s2], $0x80, v3, vm0, $0xb8;
	[tilespmem:$0x1B780] =	vst v63  }
0x1ba: {  	_ =	swait.ge [sflag:s14], $0x5000  }
0x1bb: {  	[sflag:s14] =	ssyncset.done $0x0  }
0x1bc: {  	[sflag:s14] =	ssyncadd.s32 $0xFFFFB000  }
0x1bd: {  	v3 =	vld [tilespmem:s17+$0xFFFFFF20];
	_ =	sdelay $0x4  }
0x1be: {  	v49 =	vshll.u32 v3, $0x1  }
0x1bf: {  	v3 =	vand.u32 $0x7, v3;
	v4 =	vand.u32 $0xFFFFFFF0, v49  }
0x1c0: {  	v3 =	vor.u32 v3, v4  }
0x1c1: {  	v4 =	vperm.xlane v3, v0;
	_ =	sdelay $0x1  }
0x1c2: {  	v3 =	vperm.xlane v3, v2;
	v4 =	vadd.s32 v1, v4;
	_ =	sdelay $0x1  }
0x1c3: {  	v3 =	vadd.s32 v1, v3;
	_ =	sdelay $0x2  }
0x1c4: {  	[tilespmem:s29], [sflag:$0x3] =	stream.indirect_vreg.gather [hbm4b:s3+s2], $0x80, v4, vm0, $0xb8;
	[tilespmem:$0x1B780] =	vst v63  }
0x1c5: {  	s21 =	simm.s32 $0xCF80  }
0x1c6: {  	[tilespmem:s21], [sflag:$0x3] =	stream.indirect_vreg.gather [hbm4b:s3+s2], $0x80, v3, vm0, $0xb8;
	[tilespmem:$0x1B780] =	vst v63  }
0x1c7: {  	v3 =	vld [tilespmem:s17+$0xFFFFFF30];
	_ =	sdelay $0x4  }
0x1c8: {  	v50 =	vshll.u32 v3, $0x1  }
0x1c9: {  	v3 =	vand.u32 $0x7, v3;
	v4 =	vand.u32 $0xFFFFFFF0, v50  }
0x1ca: {  	v3 =	vor.u32 v3, v4  }
0x1cb: {  	v4 =	vperm.xlane v3, v0;
	_ =	sdelay $0x1  }
0x1cc: {  	v3 =	vperm.xlane v3, v2;
	v4 =	vadd.s32 v1, v4;
	_ =	sdelay $0x1  }
0x1cd: {  	v3 =	vadd.s32 v1, v3;
	_ =	sdelay $0x1  }
0x1ce: {  	s21 =	simm.s32 $0xD780  }
0x1cf: {  	[tilespmem:s21], [sflag:$0x3] =	stream.indirect_vreg.gather [hbm4b:s3+s2], $0x80, v4, vm0, $0xb8;
	[tilespmem:$0x1B780] =	vst v63  }
0x1d0: {  	s21 =	simm.s32 $0xDF80  }
0x1d1: {  	[tilespmem:s21], [sflag:$0x3] =	stream.indirect_vreg.gather [hbm4b:s3+s2], $0x80, v3, vm0, $0xb8;
	[tilespmem:$0x1B780] =	vst v63  }
0x1d2: {  	v3 =	vld [tilespmem:s17+$0xFFFFFF40];
	_ =	sdelay $0x4  }
0x1d3: {  	v51 =	vshll.u32 v3, $0x1  }
0x1d4: {  	v3 =	vand.u32 $0x7, v3;
	v4 =	vand.u32 $0xFFFFFFF0, v51  }
0x1d5: {  	v3 =	vor.u32 v3, v4  }
0x1d6: {  	v4 =	vperm.xlane v3, v0;
	_ =	sdelay $0x1  }
0x1d7: {  	v3 =	vperm.xlane v3, v2;
	v4 =	vadd.s32 v1, v4;
	_ =	sdelay $0x1  }
0x1d8: {  	v3 =	vadd.s32 v1, v3;
	_ =	sdelay $0x1  }
0x1d9: {  	s21 =	simm.s32 $0xE780  }
0x1da: {  	[tilespmem:s21], [sflag:$0x3] =	stream.indirect_vreg.gather [hbm4b:s3+s2], $0x80, v4, vm0, $0xb8;
	[tilespmem:$0x1B780] =	vst v63  }
0x1db: {  	s21 =	simm.s32 $0xEF80  }
0x1dc: {  	[tilespmem:s21], [sflag:$0x3] =	stream.indirect_vreg.gather [hbm4b:s3+s2], $0x80, v3, vm0, $0xb8;
	[tilespmem:$0x1B780] =	vst v63  }
0x1dd: {  	v3 =	vld [tilespmem:s17+$0xFFFFFF50];
	_ =	sdelay $0x4  }
0x1de: {  	v52 =	vshll.u32 v3, $0x1  }
0x1df: {  	v3 =	vand.u32 $0x7, v3;
	v4 =	vand.u32 $0xFFFFFFF0, v52  }
0x1e0: {  	v3 =	vor.u32 v3, v4  }
0x1e1: {  	v4 =	vperm.xlane v3, v0;
	_ =	sdelay $0x1  }
0x1e2: {  	v3 =	vperm.xlane v3, v2;
	v4 =	vadd.s32 v1, v4;
	_ =	sdelay $0x1  }
0x1e3: {  	v3 =	vadd.s32 v1, v3;
	_ =	sdelay $0x1  }
0x1e4: {  	s21 =	simm.s32 $0xF780  }
0x1e5: {  	[tilespmem:s21], [sflag:$0x3] =	stream.indirect_vreg.gather [hbm4b:s3+s2], $0x80, v4, vm0, $0xb8;
	[tilespmem:$0x1B780] =	vst v63  }
0x1e6: {  	s21 =	simm.s32 $0xFF80  }
0x1e7: {  	[tilespmem:s21], [sflag:$0x3] =	stream.indirect_vreg.gather [hbm4b:s3+s2], $0x80, v3, vm0, $0xb8;
	[tilespmem:$0x1B780] =	vst v63  }
0x1e8: {  	v3 =	vld [tilespmem:s17+$0xFFFFFF60];
	_ =	sdelay $0x4  }
0x1e9: {  	v53 =	vshll.u32 v3, $0x1  }
0x1ea: {  	v3 =	vand.u32 $0x7, v3;
	v4 =	vand.u32 $0xFFFFFFF0, v53  }
0x1eb: {  	v3 =	vor.u32 v3, v4  }
0x1ec: {  	v4 =	vperm.xlane v3, v0;
	_ =	sdelay $0x1  }
0x1ed: {  	v3 =	vperm.xlane v3, v2;
	v4 =	vadd.s32 v1, v4;
	_ =	sdelay $0x1  }
0x1ee: {  	v3 =	vadd.s32 v1, v3;
	_ =	sdelay $0x1  }
0x1ef: {  	s21 =	simm.s32 $0x10780  }
0x1f0: {  	[tilespmem:s21], [sflag:$0x3] =	stream.indirect_vreg.gather [hbm4b:s3+s2], $0x80, v4, vm0, $0xb8;
	[tilespmem:$0x1B780] =	vst v63  }
0x1f1: {  	s21 =	simm.s32 $0x10F80  }
0x1f2: {  	[tilespmem:s21], [sflag:$0x3] =	stream.indirect_vreg.gather [hbm4b:s3+s2], $0x80, v3, vm0, $0xb8;
	[tilespmem:$0x1B780] =	vst v63  }
0x1f3: {  	_ =	swait.ge [sflag:s15], $0x5000  }
0x1f4: {  	[sflag:s15] =	ssyncset.done $0x0  }
0x1f5: {  	[sflag:s15] =	ssyncadd.s32 $0xFFFFB000  }
0x1f6: {  	v3 =	vld [tilespmem:s17+$0xFFFFFF70];
	_ =	sdelay $0x4  }
0x1f7: {  	v54 =	vshll.u32 v3, $0x1  }
0x1f8: {  	v3 =	vand.u32 $0x7, v3;
	v4 =	vand.u32 $0xFFFFFFF0, v54  }
0x1f9: {  	v3 =	vor.u32 v3, v4  }
0x1fa: {  	v4 =	vperm.xlane v3, v0;
	_ =	sdelay $0x1  }
0x1fb: {  	v3 =	vperm.xlane v3, v2;
	v4 =	vadd.s32 v1, v4;
	_ =	sdelay $0x1  }
0x1fc: {  	v3 =	vadd.s32 v1, v3;
	_ =	sdelay $0x2  }
0x1fd: {  	[tilespmem:s11], [sflag:$0x4] =	stream.indirect_vreg.gather [hbm4b:s3+s2], $0x80, v4, vm0, $0xb8;
	[tilespmem:$0x1B780] =	vst v63  }
0x1fe: {  	s21 =	simm.s32 $0x11F80  }
0x1ff: {  	[tilespmem:s21], [sflag:$0x4] =	stream.indirect_vreg.gather [hbm4b:s3+s2], $0x80, v3, vm0, $0xb8;
	[tilespmem:$0x1B780] =	vst v63  }
0x200: {  	v3 =	vld [tilespmem:s17+$0xFFFFFF80];
	_ =	sdelay $0x4  }
0x201: {  	v55 =	vshll.u32 v3, $0x1  }
0x202: {  	v3 =	vand.u32 $0x7, v3;
	v4 =	vand.u32 $0xFFFFFFF0, v55  }
0x203: {  	v3 =	vor.u32 v3, v4  }
0x204: {  	v4 =	vperm.xlane v3, v0;
	_ =	sdelay $0x1  }
0x205: {  	v3 =	vperm.xlane v3, v2;
	v4 =	vadd.s32 v1, v4;
	_ =	sdelay $0x1  }
0x206: {  	v3 =	vadd.s32 v1, v3;
	_ =	sdelay $0x1  }
0x207: {  	s21 =	simm.s32 $0x12780  }
0x208: {  	[tilespmem:s21], [sflag:$0x4] =	stream.indirect_vreg.gather [hbm4b:s3+s2], $0x80, v4, vm0, $0xb8;
	[tilespmem:$0x1B780] =	vst v63  }
0x209: {  	s21 =	simm.s32 $0x12F80  }
0x20a: {  	[tilespmem:s21], [sflag:$0x4] =	stream.indirect_vreg.gather [hbm4b:s3+s2], $0x80, v3, vm0, $0xb8;
	[tilespmem:$0x1B780] =	vst v63  }
0x20b: {  	v3 =	vld [tilespmem:s17+$0xFFFFFF90];
	_ =	sdelay $0x4  }
0x20c: {  	v56 =	vshll.u32 v3, $0x1  }
0x20d: {  	v3 =	vand.u32 $0x7, v3;
	v4 =	vand.u32 $0xFFFFFFF0, v56  }
0x20e: {  	v3 =	vor.u32 v3, v4  }
0x20f: {  	v4 =	vperm.xlane v3, v0;
	_ =	sdelay $0x1  }
0x210: {  	v3 =	vperm.xlane v3, v2;
	v4 =	vadd.s32 v1, v4;
	_ =	sdelay $0x1  }
0x211: {  	v3 =	vadd.s32 v1, v3;
	_ =	sdelay $0x1  }
0x212: {  	s21 =	simm.s32 $0x13780  }
0x213: {  	[tilespmem:s21], [sflag:$0x4] =	stream.indirect_vreg.gather [hbm4b:s3+s2], $0x80, v4, vm0, $0xb8;
	[tilespmem:$0x1B780] =	vst v63  }
0x214: {  	s21 =	simm.s32 $0x13F80  }
0x215: {  	[tilespmem:s21], [sflag:$0x4] =	stream.indirect_vreg.gather [hbm4b:s3+s2], $0x80, v3, vm0, $0xb8;
	[tilespmem:$0x1B780] =	vst v63  }
0x216: {  	v3 =	vld [tilespmem:s17+$0xFFFFFFA0];
	_ =	sdelay $0x4  }
0x217: {  	v57 =	vshll.u32 v3, $0x1  }
0x218: {  	v3 =	vand.u32 $0x7, v3;
	v4 =	vand.u32 $0xFFFFFFF0, v57  }
0x219: {  	v3 =	vor.u32 v3, v4  }
0x21a: {  	v4 =	vperm.xlane v3, v0;
	_ =	sdelay $0x1  }
0x21b: {  	v3 =	vperm.xlane v3, v2;
	v4 =	vadd.s32 v1, v4;
	_ =	sdelay $0x1  }
0x21c: {  	v3 =	vadd.s32 v1, v3;
	_ =	sdelay $0x1  }
0x21d: {  	s21 =	simm.s32 $0x14780  }
0x21e: {  	[tilespmem:s21], [sflag:$0x4] =	stream.indirect_vreg.gather [hbm4b:s3+s2], $0x80, v4, vm0, $0xb8;
	[tilespmem:$0x1B780] =	vst v63  }
0x21f: {  	s21 =	simm.s32 $0x14F80  }
0x220: {  	[tilespmem:s21], [sflag:$0x4] =	stream.indirect_vreg.gather [hbm4b:s3+s2], $0x80, v3, vm0, $0xb8;
	[tilespmem:$0x1B780] =	vst v63  }
0x221: {  	v3 =	vld [tilespmem:s17+$0xFFFFFFB0];
	_ =	sdelay $0x4  }
0x222: {  	v58 =	vshll.u32 v3, $0x1  }
0x223: {  	v3 =	vand.u32 $0x7, v3;
	v4 =	vand.u32 $0xFFFFFFF0, v58  }
0x224: {  	v3 =	vor.u32 v3, v4  }
0x225: {  	v4 =	vperm.xlane v3, v0;
	_ =	sdelay $0x1  }
0x226: {  	v3 =	vperm.xlane v3, v2;
	v4 =	vadd.s32 v1, v4;
	_ =	sdelay $0x1  }
0x227: {  	v3 =	vadd.s32 v1, v3;
	_ =	sdelay $0x1  }
0x228: {  	s21 =	simm.s32 $0x15780  }
0x229: {  	[tilespmem:s21], [sflag:$0x4] =	stream.indirect_vreg.gather [hbm4b:s3+s2], $0x80, v4, vm0, $0xb8;
	[tilespmem:$0x1B780] =	vst v63  }
0x22a: {  	s21 =	simm.s32 $0x15F80  }
0x22b: {  	[tilespmem:s21], [sflag:$0x4] =	stream.indirect_vreg.gather [hbm4b:s3+s2], $0x80, v3, vm0, $0xb8;
	[tilespmem:$0x1B780] =	vst v63  }
0x22c: {  	_ =	swait.ge [sflag:s16], $0x5000  }
0x22d: {  	[sflag:s16] =	ssyncset.done $0x0  }
0x22e: {  	[sflag:s16] =	ssyncadd.s32 $0xFFFFB000  }
0x22f: {  	v3 =	vld [tilespmem:s17+$0xFFFFFFC0];
	_ =	sdelay $0x4  }
0x230: {  	v59 =	vshll.u32 v3, $0x1  }
0x231: {  	v3 =	vand.u32 $0x7, v3;
	v4 =	vand.u32 $0xFFFFFFF0, v59  }
0x232: {  	v3 =	vor.u32 v3, v4  }
0x233: {  	v4 =	vperm.xlane v3, v0;
	_ =	sdelay $0x1  }
0x234: {  	v3 =	vperm.xlane v3, v2;
	v4 =	vadd.s32 v1, v4;
	_ =	sdelay $0x1  }
0x235: {  	v3 =	vadd.s32 v1, v3;
	_ =	sdelay $0x2  }
0x236: {  	[tilespmem:s22], [sflag:$0x5] =	stream.indirect_vreg.gather [hbm4b:s3+s2], $0x80, v4, vm0, $0xb8;
	[tilespmem:$0x1B780] =	vst v63  }
0x237: {  	_ = 	snop  }
0x238: {  	[tilespmem:s23], [sflag:$0x5] =	stream.indirect_vreg.gather [hbm4b:s3+s2], $0x80, v3, vm0, $0xb8;
	[tilespmem:$0x1B780] =	vst v63  }
0x239: {  	v3 =	vld [tilespmem:s17+$0xFFFFFFD0];
	_ =	sdelay $0x4  }
0x23a: {  	v60 =	vshll.u32 v3, $0x1  }
0x23b: {  	v3 =	vand.u32 $0x7, v3;
	v4 =	vand.u32 $0xFFFFFFF0, v60  }
0x23c: {  	v3 =	vor.u32 v3, v4  }
0x23d: {  	v4 =	vperm.xlane v3, v0;
	_ =	sdelay $0x1  }
0x23e: {  	v3 =	vperm.xlane v3, v2;
	v4 =	vadd.s32 v1, v4;
	_ =	sdelay $0x1  }
0x23f: {  	v3 =	vadd.s32 v1, v3;
	_ =	sdelay $0x2  }
0x240: {  	[tilespmem:s24], [sflag:$0x5] =	stream.indirect_vreg.gather [hbm4b:s3+s2], $0x80, v4, vm0, $0xb8;
	[tilespmem:$0x1B780] =	vst v63  }
0x241: {  	_ = 	snop  }
0x242: {  	[tilespmem:s25], [sflag:$0x5] =	stream.indirect_vreg.gather [hbm4b:s3+s2], $0x80, v3, vm0, $0xb8;
	[tilespmem:$0x1B780] =	vst v63  }
0x243: {  	v3 =	vld [tilespmem:s17+$0xFFFFFFE0];
	_ =	sdelay $0x4  }
0x244: {  	v61 =	vshll.u32 v3, $0x1  }
0x245: {  	v3 =	vand.u32 $0x7, v3;
	v4 =	vand.u32 $0xFFFFFFF0, v61  }
0x246: {  	v3 =	vor.u32 v3, v4  }
0x247: {  	v4 =	vperm.xlane v3, v0;
	_ =	sdelay $0x1  }
0x248: {  	v3 =	vperm.xlane v3, v2;
	v4 =	vadd.s32 v1, v4;
	_ =	sdelay $0x1  }
0x249: {  	v3 =	vadd.s32 v1, v3;
	_ =	sdelay $0x2  }
0x24a: {  	[tilespmem:s26], [sflag:$0x5] =	stream.indirect_vreg.gather [hbm4b:s3+s2], $0x80, v4, vm0, $0xb8;
	[tilespmem:$0x1B780] =	vst v63  }
0x24b: {  	_ = 	snop  }
0x24c: {  	[tilespmem:s28], [sflag:$0x5] =	stream.indirect_vreg.gather [hbm4b:s3+s2], $0x80, v3, vm0, $0xb8;
	[tilespmem:$0x1B780] =	vst v63  }
0x24d: {  	v3 =	vld [tilespmem:s17+$0xFFFFFFF0];
	_ =	sdelay $0x4  }
0x24e: {  	v62 =	vshll.u32 v3, $0x1  }
0x24f: {  	v3 =	vand.u32 $0x7, v3;
	v4 =	vand.u32 $0xFFFFFFF0, v62  }
0x250: {  	v3 =	vor.u32 v3, v4  }
0x251: {  	v4 =	vperm.xlane v3, v0;
	_ =	sdelay $0x1  }
0x252: {  	v3 =	vperm.xlane v3, v2;
	v4 =	vadd.s32 v1, v4;
	_ =	sdelay $0x1  }
0x253: {  	v3 =	vadd.s32 v1, v3;
	_ =	sdelay $0x2  }
0x254: {  	[tilespmem:s30], [sflag:$0x5] =	stream.indirect_vreg.gather [hbm4b:s3+s2], $0x80, v4, vm0, $0xb8;
	[tilespmem:$0x1B780] =	vst v63  }
0x255: {  	_ = 	snop  }
0x256: {  	[tilespmem:s31], [sflag:$0x5] =	stream.indirect_vreg.gather [hbm4b:s3+s2], $0x80, v3, vm0, $0xb8;
	[tilespmem:$0x1B780] =	vst v63  }
0x257: {  	v3 =	vld [tilespmem:s17+$0x0];
	_ =	sdelay $0x4  }
0x258: {  	v63 =	vshll.u32 v3, $0x1  }
0x259: {  	v3 =	vand.u32 $0x7, v3;
	v4 =	vand.u32 $0xFFFFFFF0, v63  }
0x25a: {  	v3 =	vor.u32 v3, v4  }
0x25b: {  	v4 =	vperm.xlane v3, v0;
	_ =	sdelay $0x1  }
0x25c: {  	v3 =	vperm.xlane v3, v2;
	v4 =	vadd.s32 v1, v4  }
0x25d: {  	s19 =	sadd.s32 $0x3200, s19  }
0x25e: {  	p0 =	sne.s32 s19, $0x4E200;
	v3 =	vadd.s32 v1, v3  }
.Ltmp3:
0x25f: {  	_ = 	snop;
	(pc) =	sbr.rel @p0 .LBB2_2-.Ltmp3, $4  }
.Ltmp4:
0x260: {  	_ = 	snop;
	(pc) =	sbr.rel @!p0 .LBB2_5-.Ltmp4, $4  }
0x261: {  	[tilespmem:s0], [sflag:$0x5] =	stream.indirect_vreg.gather [hbm4b:s3+s2], $0x80, v4, vm0, $0xb8;
	[tilespmem:$0x1B780] =	vst v63  }
0x262: {  	s17 =	sadd.s32 $0x190, s17  }
0x263: {  	[tilespmem:s1], [sflag:$0x5] =	stream.indirect_vreg.gather [hbm4b:s3+s2], $0x80, v3, vm0, $0xb8;
	[tilespmem:$0x1B780] =	vst v63  }
0x264: {  	_ = 	snop  }
.LBB2_6:
0x265: {  	_ =	sfence.sel $0x180000  }
0x266: {  	[bflag:$0x0] =	sbarrier.arrive $0xFFFF  }
0x267: {  	_ =	strace $0x90000047  }
0x268: {  	s0 =	stileid.u32;
	[bflag:$0x2] =	sbarrier.arrive $0xFFFF  }
0x269: {  	p0 =	sne.s32 s0, $0x0;
	s0 =	rddreg [dreg:$0x2]  }
0x26a: {  	s0 =	sadd.s32 @!p0 $0x100000, s0  }
0x26b: {  	[sflag:s0] =	ssyncadd.tile.s32 @!p0 $0x1;
	_ =	shalt  }
.Lfunc_end2:
_tile_overlayer_lowered:
.L_overlay_start_2:
0x26c: {  	(tag) =	ssettag $0x2  }
0x26d: {  	s0 =	rddreg [dreg:$0x0];
	s2 =	stileid.u32  }
0x26e: {  	s1 =	rddreg [dreg:$0x1];
	p0 =	sne.s32 s2, $0x0  }
0x26f: {  	s3 =	rddreg [dreg:$0x2];
	[bflag:$0x3] =	sbarrier.arrive $0xFFFF;
	s2 =	simm.s32 @!p0 $0x1C0B  }
0x270: {  	[timem:s3], [sflag:s2] =	dma.local @!p0 [hbm:s0], s1  }
0x271: {  	s0 =	simm.s32 @!p0 $0xB  }
0x272: {  	_ =	swait.ge @!p0 [sflag:s0], s1  }
0x273: {  	s1 =	ssub.s32 @!p0 $0x0, s1;
	[sflag:s0] =	ssyncset.done @!p0 $0x0  }
0x274: {  	[sflag:s0] =	ssyncadd.s32 @!p0 s1  }
0x275: {  	[bflag:$0x3] =	sbarrier.arrive $0xFFFF  }
0x276: {  	_ =	shalt  }

</sc_bundles>
